<compile_context>
chip_gen: v7x
topology: tpu7x:2x2x1
jax: 0.10.2.dev20260603
libtpu: 0.0.44.dev20260713+nightly
codegen_flags: <defaults>
</compile_context>

<pallas_src>
import functools

import jax
import jax.numpy as jnp
from jax import lax
from jax.experimental import pallas as pl
from jax.experimental.pallas import tpu as pltpu
from jax.experimental.pallas import tpu_sc as plsc


def _argmin_body(x_ref, c_ref, assign_ref, counts_out_ref, xg_ref, c2_scr, *,
                 num_blocks, num_clusters, bn):
    i = pl.program_id(0)

    @pl.when(i == 0)
    def _init():
        cc = c_ref[...]
        c2_scr[...] = jnp.broadcast_to(
            jnp.sum(cc * cc, axis=1, keepdims=True), c2_scr.shape)
        counts_out_ref[...] = jnp.zeros_like(counts_out_ref)

    x = x_ref[...]
    scores = lax.dot_general(
        c_ref[...], x, (((1,), (1,)), ((), ())),
        preferred_element_type=jnp.float32)
    val = scores - 0.5 * c2_scr[:, 0:1]
    mx = jnp.max(val, axis=0, keepdims=True)
    iota_c = lax.broadcasted_iota(jnp.int32, (num_clusters, bn), 0)
    assign = jnp.min(jnp.where(val == mx, iota_c, num_clusters), axis=0)
    assign_ref[...] = assign
    onehot = (iota_c == assign[None, :]).astype(jnp.float32)
    cnt = jnp.sum(onehot, axis=1, keepdims=True)
    counts_out_ref[...] += jnp.broadcast_to(cnt, counts_out_ref.shape)
    xg_ref[...] = (
        x.reshape(bn // 8, 8, 16, 16).transpose(2, 0, 1, 3)
        .reshape(16, bn // 8, 128))


def _tc_argmin(x, centers):
    n, dim = x.shape
    num_clusters = centers.shape[0]
    bn = 512
    num_blocks = n // bn
    return pl.pallas_call(
        functools.partial(_argmin_body, num_blocks=num_blocks,
                          num_clusters=num_clusters, bn=bn),
        grid=(num_blocks,),
        in_specs=[
            pl.BlockSpec((bn, dim), lambda i: (i, 0)),
            pl.BlockSpec((num_clusters, dim), lambda i: (0, 0)),
        ],
        out_specs=[
            pl.BlockSpec((bn,), lambda i: (i,)),
            pl.BlockSpec((num_clusters, 8), lambda i: (0, 0)),
            pl.BlockSpec((16, bn // 8, 128), lambda i: (0, i, 0)),
        ],
        out_shape=[
            jax.ShapeDtypeStruct((n,), jnp.int32),
            jax.ShapeDtypeStruct((num_clusters, 8), jnp.float32),
            jax.ShapeDtypeStruct((16, n // 8, 128), jnp.float32),
        ],
        scratch_shapes=[pltpu.VMEM((num_clusters, 8), jnp.float32)],
        compiler_params=pltpu.CompilerParams(
            dimension_semantics=("arbitrary",)),
    )(x, centers)


_CHUNK = 1024


def _make_sc_scatter(n, dim, num_clusters):
    info = plsc.get_sparse_core_info()
    nc, ns = info.num_cores, info.num_subcores
    half = n // nc
    rows_half = half // 8
    rows_chunk = _CHUNK // 8
    nchunks = half // _CHUNK
    mesh = plsc.VectorSubcoreMesh(core_axis_name="c", subcore_axis_name="s")

    @functools.partial(
        pl.kernel, mesh=mesh,
        out_type=jax.ShapeDtypeStruct((nc, ns, num_clusters // 8, 128),
                                      jnp.float32),
        scratch_types=[
            pltpu.VMEM((num_clusters // 8, 128), jnp.float32),
            pltpu.VMEM((half,), jnp.int32),
            pltpu.VMEM((2, rows_chunk, 128), jnp.float32),
            pltpu.SemaphoreType.DMA,
            pltpu.SemaphoreType.DMA,
        ],
    )
    def sc_scatter(xg_hbm, a_hbm, sums_out, acc, idx_v, x_v, sem0, sem1):
        c = lax.axis_index("c")
        cb = lax.axis_index("s")
        sems = (sem0, sem1)

        @plsc.parallel_loop(0, num_clusters // 8)
        def _zero(r):
            for jj in range(8):
                acc[r, pl.ds(jj * 16, 16)] = jnp.zeros((16,), jnp.float32)

        pltpu.sync_copy(a_hbm.at[pl.ds(c * half, half)], idx_v)

        def start(k, b):
            return pltpu.async_copy(
                xg_hbm.at[cb, pl.ds(c * rows_half + k * rows_chunk,
                                    rows_chunk)],
                x_v.at[b], sems[b])

        def process(k, b):
            @plsc.parallel_loop(0, _CHUNK // 16, unroll=2)
            def _grp(g):
                avec = idx_v[pl.ds(k * _CHUNK + g * 16, 16)]
                for l in range(16):
                    a = avec[l]
                    plsc.addupdate(
                        acc.at[a >> 3, pl.ds((a & 7) * 16, 16)],
                        x_v[b, g * 2 + l // 8, pl.ds((l % 8) * 16, 16)])

        start(0, 0).wait()

        @pl.loop(0, nchunks // 2)
        def _pair(kk):
            k0 = kk * 2

            @pl.when(k0 + 1 < nchunks)
            def _s1():
                start(k0 + 1, 1)

            process(k0, 0)

            @pl.when(k0 + 1 < nchunks)
            def _w1():
                pltpu.make_async_copy(
                    xg_hbm.at[cb, pl.ds(0, rows_chunk)], x_v.at[1],
                    sem1).wait()

            @pl.when(k0 + 2 < nchunks)
            def _s2():
                start(k0 + 2, 0)

            @pl.when(k0 + 1 < nchunks)
            def _p1():
                process(k0 + 1, 1)

            @pl.when(k0 + 2 < nchunks)
            def _w2():
                pltpu.make_async_copy(
                    xg_hbm.at[cb, pl.ds(0, rows_chunk)], x_v.at[0],
                    sem0).wait()

        pltpu.sync_copy(acc, sums_out.at[c, cb])

    return sc_scatter


def _combine_body(sums_ref, cnt_ref, c_ref, centers_out_ref):
    sums = sums_ref[0] + sums_ref[1]
    counts = cnt_ref[:, 0:1]
    means = sums / jnp.maximum(counts, 1.0)
    centers_out_ref[...] = jnp.where(counts > 0.0, means, c_ref[...])


def _tc_combine(sums, cnt, centers):
    num_clusters, dim = centers.shape
    return pl.pallas_call(
        _combine_body,
        out_shape=jax.ShapeDtypeStruct((num_clusters, dim), jnp.float32),
    )(sums, cnt, centers)


@jax.jit
def kernel(x, cluster_centers):
    n, dim = x.shape
    num_clusters = cluster_centers.shape[0]

    assignments, counts8, xg = _tc_argmin(x, cluster_centers)
    sc_scatter = _make_sc_scatter(n, dim, num_clusters)
    sums4 = sc_scatter(xg, assignments)
    sums2 = jnp.transpose(
        sums4.reshape(2, 16, num_clusters // 8, 8, 16),
        (0, 2, 3, 1, 4)).reshape(2, num_clusters, dim)
    new_centers = _tc_combine(sums2, counts8, cluster_centers)
    return new_centers, counts8[:, 0]

# --- scband reference (transcript-rebuilt; emitter-appended) ---
"""Pipeline reference for scband-kmeans-9294309229230 (READ-ONLY COPY).

The authoritative reference and input builder live on the scoring server;
editing this copy changes nothing except your own understanding.
"""

import jax, jax.numpy as jnp
import numpy as np

NUM_CLUSTERS = 1024
DIM = 256
N = 65536

def setup_inputs(seed: int = 0):
    key = jax.random.key(seed)
    k1, k2 = jax.random.split(key)
    x = jax.random.normal(k1, (N, DIM), dtype=jnp.float32)
    cluster_centers = jax.random.normal(k2, (NUM_CLUSTERS, DIM), dtype=jnp.float32)
    return {"x": x, "cluster_centers": cluster_centers}

def reference(x, cluster_centers):
    # torch.cdist (euclidean) via expansion: ||x||^2 + ||c||^2 - 2 x c^T
    x2 = jnp.sum(x * x, axis=1, keepdims=True)
    c2 = jnp.sum(cluster_centers * cluster_centers, axis=1)[None, :]
    d2 = x2 + c2 - 2.0 * (x @ cluster_centers.T)
    distances = jnp.sqrt(jnp.maximum(d2, 0.0))
    cluster_assignments = jnp.argmin(distances, axis=-1)
    # counts.zero_(); counts.scatter_add_(0, assignments, ones)
    counts = jnp.zeros((NUM_CLUSTERS,), dtype=jnp.float32).at[cluster_assignments].add(
        jnp.ones((x.shape[0],), dtype=jnp.float32))
    # per-cluster mean update; empty clusters keep their old center
    sums = jax.ops.segment_sum(x, cluster_assignments, num_segments=NUM_CLUSTERS)
    means = sums / jnp.maximum(counts, 1.0)[:, None]
    new_centers = jnp.where((counts > 0.0)[:, None], means, cluster_centers)
    return (new_centers, counts)

if __name__ == "__main__":
    import jax
    _d = setup_inputs()
    print(jax.jit(kernel)(*tuple(_d.values())))

</pallas_src>

<mosaic_0001>
#map = affine_map<(d0, d1) -> (0, 0, 0)>
#map1 = affine_map<(d0, d1) -> (0)>
#map2 = affine_map<(d0, d1) -> (0, 0, 0, 0)>
module attributes {stable_mosaic.version = 14 : i64} {
  func.func @sc_scatter(%arg0: i32, %arg1: i32, %arg2: memref<16x8192x128xf32, #tpu.memory_space<hbm>>, %arg3: memref<65536xi32, #tpu.memory_space<hbm>>, %arg4: memref<2x16x128x128xf32, #tpu.memory_space<hbm>>, %arg5: memref<128x128xf32, #tpu.memory_space<vmem>>, %arg6: memref<32768xi32, #tpu.memory_space<vmem>>, %arg7: memref<2x128x128xf32, #tpu.memory_space<vmem>>, %arg8: memref<!tpu.dma_semaphore, #tpu.memory_space<semaphore_mem>>, %arg9: memref<!tpu.dma_semaphore, #tpu.memory_space<semaphore_mem>>) attributes {dimension_semantics = [#tpu.dimension_semantics<core_parallel>, #tpu.dimension_semantics<subcore_parallel>], iteration_bounds = array<i64: 2, 16>, scalar_prefetch = 0 : i64, scratch_operands = 5 : i64, tpu.core_type = #tpu.core_type<sc_vector_subcore>, window_params = [{transform_indices = #map}, {transform_indices = #map1}, {transform_indices = #map2}]} {
    %parallel_loop3A = arith.constant 0 : i32
    %parallel_loop3A_0 = arith.constant 128 : i32
    %parallel_loop3A_1 = arith.constant 1 : i32
    scf.for %parallel_loop3A_38 = %parallel_loop3A to %parallel_loop3A_0 step %parallel_loop3A_1  : i32 {
      %parallel_loop3A_39 = arith.constant 0.000000e+00 : f32
      %parallel_loop3A_40 = vector.broadcast %parallel_loop3A_39 : f32 to vector<16xf32>
      %parallel_loop3A_41 = arith.index_cast %parallel_loop3A_38 : i32 to index
      %parallel_loop3A_42 = arith.constant 0 : index
      %parallel_loop3A_43 = tpu.vector_load %arg5[%parallel_loop3A_41, %parallel_loop3A_42] {strides = array<i32>} : memref<128x128xf32, #tpu.memory_space<vmem>>, vector<1x16xf32>,
      %parallel_loop3A_44 = vector.shape_cast %parallel_loop3A_43 : vector<1x16xf32> to vector<16xf32>
      %parallel_loop3A_45 = vector.shape_cast %parallel_loop3A_40 : vector<16xf32> to vector<1x16xf32>
      tpu.vector_store %arg5[%parallel_loop3A_41, %parallel_loop3A_42], %parallel_loop3A_45 {strides = array<i32>} : memref<128x128xf32, #tpu.memory_space<vmem>>, vector<1x16xf32>,
      %parallel_loop3A_46 = arith.constant 0.000000e+00 : f32
      %parallel_loop3A_47 = vector.broadcast %parallel_loop3A_46 : f32 to vector<16xf32>
      %parallel_loop3A_48 = arith.index_cast %parallel_loop3A_38 : i32 to index
      %parallel_loop3A_49 = arith.constant 16 : index
      %parallel_loop3A_50 = tpu.vector_load %arg5[%parallel_loop3A_48, %parallel_loop3A_49] {strides = array<i32>} : memref<128x128xf32, #tpu.memory_space<vmem>>, vector<1x16xf32>,
      %parallel_loop3A_51 = vector.shape_cast %parallel_loop3A_50 : vector<1x16xf32> to vector<16xf32>
      %parallel_loop3A_52 = vector.shape_cast %parallel_loop3A_47 : vector<16xf32> to vector<1x16xf32>
      tpu.vector_store %arg5[%parallel_loop3A_48, %parallel_loop3A_49], %parallel_loop3A_52 {strides = array<i32>} : memref<128x128xf32, #tpu.memory_space<vmem>>, vector<1x16xf32>,
      %parallel_loop3A_53 = arith.constant 0.000000e+00 : f32
      %parallel_loop3A_54 = vector.broadcast %parallel_loop3A_53 : f32 to vector<16xf32>
      %parallel_loop3A_55 = arith.index_cast %parallel_loop3A_38 : i32 to index
      %parallel_loop3A_56 = arith.constant 32 : index
      %parallel_loop3A_57 = tpu.vector_load %arg5[%parallel_loop3A_55, %parallel_loop3A_56] {strides = array<i32>} : memref<128x128xf32, #tpu.memory_space<vmem>>, vector<1x16xf32>,
      %parallel_loop3A_58 = vector.shape_cast %parallel_loop3A_57 : vector<1x16xf32> to vector<16xf32>
      %parallel_loop3A_59 = vector.shape_cast %parallel_loop3A_54 : vector<16xf32> to vector<1x16xf32>
      tpu.vector_store %arg5[%parallel_loop3A_55, %parallel_loop3A_56], %parallel_loop3A_59 {strides = array<i32>} : memref<128x128xf32, #tpu.memory_space<vmem>>, vector<1x16xf32>,
      %parallel_loop3A_60 = arith.constant 0.000000e+00 : f32
      %parallel_loop3A_61 = vector.broadcast %parallel_loop3A_60 : f32 to vector<16xf32>
      %parallel_loop3A_62 = arith.index_cast %parallel_loop3A_38 : i32 to index
      %parallel_loop3A_63 = arith.constant 48 : index
      %parallel_loop3A_64 = tpu.vector_load %arg5[%parallel_loop3A_62, %parallel_loop3A_63] {strides = array<i32>} : memref<128x128xf32, #tpu.memory_space<vmem>>, vector<1x16xf32>,
      %parallel_loop3A_65 = vector.shape_cast %parallel_loop3A_64 : vector<1x16xf32> to vector<16xf32>
      %parallel_loop3A_66 = vector.shape_cast %parallel_loop3A_61 : vector<16xf32> to vector<1x16xf32>
      tpu.vector_store %arg5[%parallel_loop3A_62, %parallel_loop3A_63], %parallel_loop3A_66 {strides = array<i32>} : memref<128x128xf32, #tpu.memory_space<vmem>>, vector<1x16xf32>,
      %parallel_loop3A_67 = arith.constant 0.000000e+00 : f32
      %parallel_loop3A_68 = vector.broadcast %parallel_loop3A_67 : f32 to vector<16xf32>
      %parallel_loop3A_69 = arith.index_cast %parallel_loop3A_38 : i32 to index
      %parallel_loop3A_70 = arith.constant 64 : index
      %parallel_loop3A_71 = tpu.vector_load %arg5[%parallel_loop3A_69, %parallel_loop3A_70] {strides = array<i32>} : memref<128x128xf32, #tpu.memory_space<vmem>>, vector<1x16xf32>,
      %parallel_loop3A_72 = vector.shape_cast %parallel_loop3A_71 : vector<1x16xf32> to vector<16xf32>
      %parallel_loop3A_73 = vector.shape_cast %parallel_loop3A_68 : vector<16xf32> to vector<1x16xf32>
      tpu.vector_store %arg5[%parallel_loop3A_69, %parallel_loop3A_70], %parallel_loop3A_73 {strides = array<i32>} : memref<128x128xf32, #tpu.memory_space<vmem>>, vector<1x16xf32>,
      %parallel_loop3A_74 = arith.constant 0.000000e+00 : f32
      %parallel_loop3A_75 = vector.broadcast %parallel_loop3A_74 : f32 to vector<16xf32>
      %parallel_loop3A_76 = arith.index_cast %parallel_loop3A_38 : i32 to index
      %parallel_loop3A_77 = arith.constant 80 : index
      %parallel_loop3A_78 = tpu.vector_load %arg5[%parallel_loop3A_76, %parallel_loop3A_77] {strides = array<i32>} : memref<128x128xf32, #tpu.memory_space<vmem>>, vector<1x16xf32>,
      %parallel_loop3A_79 = vector.shape_cast %parallel_loop3A_78 : vector<1x16xf32> to vector<16xf32>
      %parallel_loop3A_80 = vector.shape_cast %parallel_loop3A_75 : vector<16xf32> to vector<1x16xf32>
      tpu.vector_store %arg5[%parallel_loop3A_76, %parallel_loop3A_77], %parallel_loop3A_80 {strides = array<i32>} : memref<128x128xf32, #tpu.memory_space<vmem>>, vector<1x16xf32>,
      %parallel_loop3A_81 = arith.constant 0.000000e+00 : f32
      %parallel_loop3A_82 = vector.broadcast %parallel_loop3A_81 : f32 to vector<16xf32>
      %parallel_loop3A_83 = arith.index_cast %parallel_loop3A_38 : i32 to index
      %parallel_loop3A_84 = arith.constant 96 : index
      %parallel_loop3A_85 = tpu.vector_load %arg5[%parallel_loop3A_83, %parallel_loop3A_84] {strides = array<i32>} : memref<128x128xf32, #tpu.memory_space<vmem>>, vector<1x16xf32>,
      %parallel_loop3A_86 = vector.shape_cast %parallel_loop3A_85 : vector<1x16xf32> to vector<16xf32>
      %parallel_loop3A_87 = vector.shape_cast %parallel_loop3A_82 : vector<16xf32> to vector<1x16xf32>
      tpu.vector_store %arg5[%parallel_loop3A_83, %parallel_loop3A_84], %parallel_loop3A_87 {strides = array<i32>} : memref<128x128xf32, #tpu.memory_space<vmem>>, vector<1x16xf32>,
      %parallel_loop3A_88 = arith.constant 0.000000e+00 : f32
      %parallel_loop3A_89 = vector.broadcast %parallel_loop3A_88 : f32 to vector<16xf32>
      %parallel_loop3A_90 = arith.index_cast %parallel_loop3A_38 : i32 to index
      %parallel_loop3A_91 = arith.constant 112 : index
      %parallel_loop3A_92 = tpu.vector_load %arg5[%parallel_loop3A_90, %parallel_loop3A_91] {strides = array<i32>} : memref<128x128xf32, #tpu.memory_space<vmem>>, vector<1x16xf32>,
      %parallel_loop3A_93 = vector.shape_cast %parallel_loop3A_92 : vector<1x16xf32> to vector<16xf32>
      %parallel_loop3A_94 = vector.shape_cast %parallel_loop3A_89 : vector<16xf32> to vector<1x16xf32>
      tpu.vector_store %arg5[%parallel_loop3A_90, %parallel_loop3A_91], %parallel_loop3A_94 {strides = array<i32>} : memref<128x128xf32, #tpu.memory_space<vmem>>, vector<1x16xf32>,
    } {sc.loop_unroll_factor = 1 : i64, sc.parallel_access}
    %mul3A = arith.constant 32768 : i32
    %mul3A_2 = arith.muli %arg0, %mul3A : i32
    "tpu.region"() ({
      %run_scoped3A = tpu.sem_alloc : memref<!tpu.dma_semaphore, #tpu.memory_space<semaphore_mem>>
      %dma_start3A_38 = tpu.memref_slice %arg3[%mul3A_2] : memref<65536xi32, #tpu.memory_space<hbm>> -> memref<32768xi32, #tpu.memory_space<hbm>>
      %dma_start3A_39 = tpu.memref_slice %arg3[%mul3A_2] : memref<65536xi32, #tpu.memory_space<hbm>> -> memref<32768xi32, #tpu.memory_space<hbm>>
      tpu.enqueue_dma source(%dma_start3A_39 : memref<32768xi32, #tpu.memory_space<hbm>>) target(%arg6 : memref<32768xi32, #tpu.memory_space<vmem>>) target_semaphore(%run_scoped3A : memref<!tpu.dma_semaphore, #tpu.memory_space<semaphore_mem>>)
      %dma_wait3A_40 = tpu.memref_slice %arg3[%mul3A_2] : memref<65536xi32, #tpu.memory_space<hbm>> -> memref<32768xi32, #tpu.memory_space<hbm>>
      %dma_wait3A_41 = tpu.memref_slice %arg3[%mul3A_2] : memref<65536xi32, #tpu.memory_space<hbm>> -> memref<32768xi32, #tpu.memory_space<hbm>>
      tpu.wait_dma2 semaphore(%run_scoped3A : memref<!tpu.dma_semaphore, #tpu.memory_space<semaphore_mem>>) src(%dma_wait3A_41 : memref<32768xi32, #tpu.memory_space<hbm>>) dst(%arg6 : memref<32768xi32, #tpu.memory_space<vmem>>)
      tpu.yield
    }) : () -> ()
    %mul3A_3 = arith.constant 4096 : i32
    %mul3A_4 = arith.muli %arg0, %mul3A_3 : i32
    %add3A = arith.constant 0 : i32
    %add3A_5 = arith.addi %mul3A_4, %add3A : i32
    %dma_start3A = arith.constant 0 : i32
    %dma_start3A_6 = arith.constant 0 : i32
    %dma_start3A_7 = arith.constant 0 : i32
    %dma_start3A_8 = tpu.memref_slice %arg7[%dma_start3A, %dma_start3A_6, %dma_start3A_7] : memref<2x128x128xf32, #tpu.memory_space<vmem>> -> memref<1x128x128xf32, #tpu.memory_space<vmem>>
    %dma_start3A_9 = tpu.memref_squeeze %dma_start3A_8 : memref<1x128x128xf32, #tpu.memory_space<vmem>> -> memref<128x128xf32, #tpu.memory_space<vmem>>
    %dma_start3A_10 = arith.constant 0 : i32
    %dma_start3A_11 = tpu.memref_slice %arg2[%arg1, %add3A_5, %dma_start3A_10] : memref<16x8192x128xf32, #tpu.memory_space<hbm>> -> memref<1x128x128xf32, #tpu.memory_space<hbm>>
    %dma_start3A_12 = tpu.memref_squeeze %dma_start3A_11 : memref<1x128x128xf32, #tpu.memory_space<hbm>> -> memref<128x128xf32, #tpu.memory_space<hbm>>
    %dma_start3A_13 = arith.constant 0 : i32
    %dma_start3A_14 = arith.constant 0 : i32
    %dma_start3A_15 = tpu.memref_slice %arg7[%dma_start3A, %dma_start3A_13, %dma_start3A_14] : memref<2x128x128xf32, #tpu.memory_space<vmem>> -> memref<1x128x128xf32, #tpu.memory_space<vmem>>
    %dma_start3A_16 = tpu.memref_squeeze %dma_start3A_15 : memref<1x128x128xf32, #tpu.memory_space<vmem>> -> memref<128x128xf32, #tpu.memory_space<vmem>>
    %dma_start3A_17 = arith.constant 0 : i32
    %dma_start3A_18 = tpu.memref_slice %arg2[%arg1, %add3A_5, %dma_start3A_17] : memref<16x8192x128xf32, #tpu.memory_space<hbm>> -> memref<1x128x128xf32, #tpu.memory_space<hbm>>
    %dma_start3A_19 = tpu.memref_squeeze %dma_start3A_18 : memref<1x128x128xf32, #tpu.memory_space<hbm>> -> memref<128x128xf32, #tpu.memory_space<hbm>>
    tpu.enqueue_dma source(%dma_start3A_19 : memref<128x128xf32, #tpu.memory_space<hbm>>) target(%dma_start3A_16 : memref<128x128xf32, #tpu.memory_space<vmem>>) target_semaphore(%arg8 : memref<!tpu.dma_semaphore, #tpu.memory_space<semaphore_mem>>)
    %dma_wait3A = arith.constant 0 : i32
    %dma_wait3A_20 = arith.constant 0 : i32
    %dma_wait3A_21 = arith.constant 0 : i32
    %dma_wait3A_22 = tpu.memref_slice %arg7[%dma_wait3A, %dma_wait3A_20, %dma_wait3A_21] : memref<2x128x128xf32, #tpu.memory_space<vmem>> -> memref<1x128x128xf32, #tpu.memory_space<vmem>>
    %dma_wait3A_23 = tpu.memref_squeeze %dma_wait3A_22 : memref<1x128x128xf32, #tpu.memory_space<vmem>> -> memref<128x128xf32, #tpu.memory_space<vmem>>
    %dma_wait3A_24 = arith.constant 0 : i32
    %dma_wait3A_25 = tpu.memref_slice %arg2[%arg1, %add3A_5, %dma_wait3A_24] : memref<16x8192x128xf32, #tpu.memory_space<hbm>> -> memref<1x128x128xf32, #tpu.memory_space<hbm>>
    %dma_wait3A_26 = tpu.memref_squeeze %dma_wait3A_25 : memref<1x128x128xf32, #tpu.memory_space<hbm>> -> memref<128x128xf32, #tpu.memory_space<hbm>>
    %dma_wait3A_27 = arith.constant 0 : i32
    %dma_wait3A_28 = arith.constant 0 : i32
    %dma_wait3A_29 = tpu.memref_slice %arg7[%dma_wait3A, %dma_wait3A_27, %dma_wait3A_28] : memref<2x128x128xf32, #tpu.memory_space<vmem>> -> memref<1x128x128xf32, #tpu.memory_space<vmem>>
    %dma_wait3A_30 = tpu.memref_squeeze %dma_wait3A_29 : memref<1x128x128xf32, #tpu.memory_space<vmem>> -> memref<128x128xf32, #tpu.memory_space<vmem>>
    %dma_wait3A_31 = arith.constant 0 : i32
    %dma_wait3A_32 = tpu.memref_slice %arg2[%arg1, %add3A_5, %dma_wait3A_31] : memref<16x8192x128xf32, #tpu.memory_space<hbm>> -> memref<1x128x128xf32, #tpu.memory_space<hbm>>
    %dma_wait3A_33 = tpu.memref_squeeze %dma_wait3A_32 : memref<1x128x128xf32, #tpu.memory_space<hbm>> -> memref<128x128xf32, #tpu.memory_space<hbm>>
    tpu.wait_dma2 semaphore(%arg8 : memref<!tpu.dma_semaphore, #tpu.memory_space<semaphore_mem>>) src(%dma_wait3A_33 : memref<128x128xf32, #tpu.memory_space<hbm>>) dst(%dma_wait3A_30 : memref<128x128xf32, #tpu.memory_space<vmem>>)
    %scan3A = arith.constant 0 : i32
    %scan3A_34 = arith.constant 16 : i32
    %scan3A_35 = arith.addi %scan3A, %scan3A_34 : i32
    %scan3A_36 = arith.constant 1 : i32
    scf.for %scan3A_38 = %scan3A to %scan3A_35 step %scan3A_36  : i32 {
      %mul3A_39 = arith.constant 1 : i32
      %mul3A_40 = arith.muli %scan3A_38, %mul3A_39 : i32
      %add3A_41 = arith.constant 0 : i32
      %add3A_42 = arith.addi %add3A_41, %mul3A_40 : i32
      %mul3A_43 = arith.constant 2 : i32
      %mul3A_44 = arith.muli %add3A_42, %mul3A_43 : i32
      %add3A_45 = arith.constant 1 : i32
      %add3A_46 = arith.addi %mul3A_44, %add3A_45 : i32
      %lt3A = arith.constant 32 : i32
      %lt3A_47 = arith.cmpi slt, %add3A_46, %lt3A : i32
      %convert_element_type3A = arith.extui %lt3A_47 : i1 to i32
      %cond3A = arith.constant 0 : i32
      %cond3A_48 = arith.cmpi ne, %convert_element_type3A, %cond3A : i32
      scf.if %cond3A_48 {
        %add3A_80 = arith.constant 1 : i32
        %add3A_81 = arith.addi %mul3A_44, %add3A_80 : i32
        %mul3A_82 = arith.constant 4096 : i32
        %mul3A_83 = arith.muli %arg0, %mul3A_82 : i32
        %mul3A_84 = arith.constant 128 : i32
        %mul3A_85 = arith.muli %add3A_81, %mul3A_84 : i32
        %add3A_86 = arith.addi %mul3A_83, %mul3A_85 : i32
        %dma_start3A_87 = arith.constant 1 : i32
        %dma_start3A_88 = arith.constant 0 : i32
        %dma_start3A_89 = arith.constant 0 : i32
        %dma_start3A_90 = tpu.memref_slice %arg7[%dma_start3A_87, %dma_start3A_88, %dma_start3A_89] : memref<2x128x128xf32, #tpu.memory_space<vmem>> -> memref<1x128x128xf32, #tpu.memory_space<vmem>>
        %dma_start3A_91 = tpu.memref_squeeze %dma_start3A_90 : memref<1x128x128xf32, #tpu.memory_space<vmem>> -> memref<128x128xf32, #tpu.memory_space<vmem>>
        %dma_start3A_92 = arith.constant 0 : i32
        %dma_start3A_93 = tpu.memref_slice %arg2[%arg1, %add3A_86, %dma_start3A_92] : memref<16x8192x128xf32, #tpu.memory_space<hbm>> -> memref<1x128x128xf32, #tpu.memory_space<hbm>>
        %dma_start3A_94 = tpu.memref_squeeze %dma_start3A_93 : memref<1x128x128xf32, #tpu.memory_space<hbm>> -> memref<128x128xf32, #tpu.memory_space<hbm>>
        %dma_start3A_95 = arith.constant 0 : i32
        %dma_start3A_96 = arith.constant 0 : i32
        %dma_start3A_97 = tpu.memref_slice %arg7[%dma_start3A_87, %dma_start3A_95, %dma_start3A_96] : memref<2x128x128xf32, #tpu.memory_space<vmem>> -> memref<1x128x128xf32, #tpu.memory_space<vmem>>
        %dma_start3A_98 = tpu.memref_squeeze %dma_start3A_97 : memref<1x128x128xf32, #tpu.memory_space<vmem>> -> memref<128x128xf32, #tpu.memory_space<vmem>>
        %dma_start3A_99 = arith.constant 0 : i32
        %dma_start3A_100 = tpu.memref_slice %arg2[%arg1, %add3A_86, %dma_start3A_99] : memref<16x8192x128xf32, #tpu.memory_space<hbm>> -> memref<1x128x128xf32, #tpu.memory_space<hbm>>
        %dma_start3A_101 = tpu.memref_squeeze %dma_start3A_100 : memref<1x128x128xf32, #tpu.memory_space<hbm>> -> memref<128x128xf32, #tpu.memory_space<hbm>>
        tpu.enqueue_dma source(%dma_start3A_101 : memref<128x128xf32, #tpu.memory_space<hbm>>) target(%dma_start3A_98 : memref<128x128xf32, #tpu.memory_space<vmem>>) target_semaphore(%arg9 : memref<!tpu.dma_semaphore, #tpu.memory_space<semaphore_mem>>)
      } else {
      }
      %parallel_loop3A_49 = arith.constant 0 : i32
      %parallel_loop3A_50 = arith.constant 64 : i32
      %parallel_loop3A_51 = arith.constant 1 : i32
      scf.for %parallel_loop3A_80 = %parallel_loop3A_49 to %parallel_loop3A_50 step %parallel_loop3A_51  : i32 {
        %parallel_loop3A_81 = arith.constant 1024 : i32
        %parallel_loop3A_82 = arith.muli %mul3A_44, %parallel_loop3A_81 : i32
        %parallel_loop3A_83 = arith.constant 16 : i32
        %parallel_loop3A_84 = arith.muli %parallel_loop3A_80, %parallel_loop3A_83 : i32
        %parallel_loop3A_85 = arith.addi %parallel_loop3A_82, %parallel_loop3A_84 : i32
        %parallel_loop3A_86 = arith.index_cast %parallel_loop3A_85 : i32 to index
        %parallel_loop3A_87 = tpu.vector_load %arg6[%parallel_loop3A_86] {strides = array<i32>} : memref<32768xi32, #tpu.memory_space<vmem>>, vector<16xi32>,
        %parallel_loop3A_88 = vector.shape_cast %parallel_loop3A_87 : vector<16xi32> to vector<16xi32>
        %parallel_loop3A_89 = vector.extract_strided_slice %parallel_loop3A_88 {offsets = [0], sizes = [1], strides = [1]} : vector<16xi32> to vector<1xi32>
        %parallel_loop3A_90 = vector.extract %parallel_loop3A_89[0] : i32 from vector<1xi32>
        %parallel_loop3A_91 = arith.constant 3 : i32
        %parallel_loop3A_92 = arith.shrsi %parallel_loop3A_90, %parallel_loop3A_91 : i32
        %parallel_loop3A_93 = arith.constant 7 : i32
        %parallel_loop3A_94 = arith.andi %parallel_loop3A_90, %parallel_loop3A_93 : i32
        %parallel_loop3A_95 = arith.constant 16 : i32
        %parallel_loop3A_96 = arith.muli %parallel_loop3A_94, %parallel_loop3A_95 : i32
        %parallel_loop3A_97 = arith.constant 2 : i32
        %parallel_loop3A_98 = arith.muli %parallel_loop3A_80, %parallel_loop3A_97 : i32
        %parallel_loop3A_99 = arith.constant 0 : i32
        %parallel_loop3A_100 = arith.addi %parallel_loop3A_98, %parallel_loop3A_99 : i32
        %parallel_loop3A_101 = arith.constant 0 : i32
        %parallel_loop3A_102 = arith.index_cast %parallel_loop3A_101 : i32 to index
        %parallel_loop3A_103 = arith.index_cast %parallel_loop3A_100 : i32 to index
        %parallel_loop3A_104 = arith.constant 0 : index
        %parallel_loop3A_105 = tpu.vector_load %arg7[%parallel_loop3A_102, %parallel_loop3A_103, %parallel_loop3A_104] {strides = array<i32>} : memref<2x128x128xf32, #tpu.memory_space<vmem>>, vector<1x1x16xf32>,
        %parallel_loop3A_106 = vector.shape_cast %parallel_loop3A_105 : vector<1x1x16xf32> to vector<16xf32>
        %parallel_loop3A_107 = arith.index_cast %parallel_loop3A_92 : i32 to index
        %parallel_loop3A_108 = arith.index_cast %parallel_loop3A_96 : i32 to index
        %parallel_loop3A_109 = tpu.vector_load %arg5[%parallel_loop3A_107, %parallel_loop3A_108] {strides = array<i32>} : memref<128x128xf32, #tpu.memory_space<vmem>>, vector<1x16xf32>,
        %parallel_loop3A_110 = vector.shape_cast %parallel_loop3A_109 : vector<1x16xf32> to vector<16xf32>
        %parallel_loop3A_111 = vector.shape_cast %parallel_loop3A_106 : vector<16xf32> to vector<1x16xf32>
        tpu.vector_store %arg5[%parallel_loop3A_107, %parallel_loop3A_108], %parallel_loop3A_111 {add = true, strides = array<i32>} : memref<128x128xf32, #tpu.memory_space<vmem>>, vector<1x16xf32>,
        %parallel_loop3A_112 = vector.extract_strided_slice %parallel_loop3A_88 {offsets = [1], sizes = [1], strides = [1]} : vector<16xi32> to vector<1xi32>
        %parallel_loop3A_113 = vector.extract %parallel_loop3A_112[0] : i32 from vector<1xi32>
        %parallel_loop3A_114 = arith.constant 3 : i32
        %parallel_loop3A_115 = arith.shrsi %parallel_loop3A_113, %parallel_loop3A_114 : i32
        %parallel_loop3A_116 = arith.constant 7 : i32
        %parallel_loop3A_117 = arith.andi %parallel_loop3A_113, %parallel_loop3A_116 : i32
        %parallel_loop3A_118 = arith.constant 16 : i32
        %parallel_loop3A_119 = arith.muli %parallel_loop3A_117, %parallel_loop3A_118 : i32
        %parallel_loop3A_120 = arith.constant 2 : i32
        %parallel_loop3A_121 = arith.muli %parallel_loop3A_80, %parallel_loop3A_120 : i32
        %parallel_loop3A_122 = arith.constant 0 : i32
        %parallel_loop3A_123 = arith.addi %parallel_loop3A_121, %parallel_loop3A_122 : i32
        %parallel_loop3A_124 = arith.constant 0 : i32
        %parallel_loop3A_125 = arith.index_cast %parallel_loop3A_124 : i32 to index
        %parallel_loop3A_126 = arith.index_cast %parallel_loop3A_123 : i32 to index
        %parallel_loop3A_127 = arith.constant 16 : index
        %parallel_loop3A_128 = tpu.vector_load %arg7[%parallel_loop3A_125, %parallel_loop3A_126, %parallel_loop3A_127] {strides = array<i32>} : memref<2x128x128xf32, #tpu.memory_space<vmem>>, vector<1x1x16xf32>,
        %parallel_loop3A_129 = vector.shape_cast %parallel_loop3A_128 : vector<1x1x16xf32> to vector<16xf32>
        %parallel_loop3A_130 = arith.index_cast %parallel_loop3A_115 : i32 to index
        %parallel_loop3A_131 = arith.index_cast %parallel_loop3A_119 : i32 to index
        %parallel_loop3A_132 = tpu.vector_load %arg5[%parallel_loop3A_130, %parallel_loop3A_131] {strides = array<i32>} : memref<128x128xf32, #tpu.memory_space<vmem>>, vector<1x16xf32>,
        %parallel_loop3A_133 = vector.shape_cast %parallel_loop3A_132 : vector<1x16xf32> to vector<16xf32>
        %parallel_loop3A_134 = vector.shape_cast %parallel_loop3A_129 : vector<16xf32> to vector<1x16xf32>
        tpu.vector_store %arg5[%parallel_loop3A_130, %parallel_loop3A_131], %parallel_loop3A_134 {add = true, strides = array<i32>} : memref<128x128xf32, #tpu.memory_space<vmem>>, vector<1x16xf32>,
        %parallel_loop3A_135 = vector.extract_strided_slice %parallel_loop3A_88 {offsets = [2], sizes = [1], strides = [1]} : vector<16xi32> to vector<1xi32>
        %parallel_loop3A_136 = vector.extract %parallel_loop3A_135[0] : i32 from vector<1xi32>
        %parallel_loop3A_137 = arith.constant 3 : i32
        %parallel_loop3A_138 = arith.shrsi %parallel_loop3A_136, %parallel_loop3A_137 : i32
        %parallel_loop3A_139 = arith.constant 7 : i32
        %parallel_loop3A_140 = arith.andi %parallel_loop3A_136, %parallel_loop3A_139 : i32
        %parallel_loop3A_141 = arith.constant 16 : i32
        %parallel_loop3A_142 = arith.muli %parallel_loop3A_140, %parallel_loop3A_141 : i32
        %parallel_loop3A_143 = arith.constant 2 : i32
        %parallel_loop3A_144 = arith.muli %parallel_loop3A_80, %parallel_loop3A_143 : i32
        %parallel_loop3A_145 = arith.constant 0 : i32
        %parallel_loop3A_146 = arith.addi %parallel_loop3A_144, %parallel_loop3A_145 : i32
        %parallel_loop3A_147 = arith.constant 0 : i32
        %parallel_loop3A_148 = arith.index_cast %parallel_loop3A_147 : i32 to index
        %parallel_loop3A_149 = arith.index_cast %parallel_loop3A_146 : i32 to index
        %parallel_loop3A_150 = arith.constant 32 : index
        %parallel_loop3A_151 = tpu.vector_load %arg7[%parallel_loop3A_148, %parallel_loop3A_149, %parallel_loop3A_150] {strides = array<i32>} : memref<2x128x128xf32, #tpu.memory_space<vmem>>, vector<1x1x16xf32>,
        %parallel_loop3A_152 = vector.shape_cast %parallel_loop3A_151 : vector<1x1x16xf32> to vector<16xf32>
        %parallel_loop3A_153 = arith.index_cast %parallel_loop3A_138 : i32 to index
        %parallel_loop3A_154 = arith.index_cast %parallel_loop3A_142 : i32 to index
        %parallel_loop3A_155 = tpu.vector_load %arg5[%parallel_loop3A_153, %parallel_loop3A_154] {strides = array<i32>} : memref<128x128xf32, #tpu.memory_space<vmem>>, vector<1x16xf32>,
        %parallel_loop3A_156 = vector.shape_cast %parallel_loop3A_155 : vector<1x16xf32> to vector<16xf32>
        %parallel_loop3A_157 = vector.shape_cast %parallel_loop3A_152 : vector<16xf32> to vector<1x16xf32>
        tpu.vector_store %arg5[%parallel_loop3A_153, %parallel_loop3A_154], %parallel_loop3A_157 {add = true, strides = array<i32>} : memref<128x128xf32, #tpu.memory_space<vmem>>, vector<1x16xf32>,
        %parallel_loop3A_158 = vector.extract_strided_slice %parallel_loop3A_88 {offsets = [3], sizes = [1], strides = [1]} : vector<16xi32> to vector<1xi32>
        %parallel_loop3A_159 = vector.extract %parallel_loop3A_158[0] : i32 from vector<1xi32>
        %parallel_loop3A_160 = arith.constant 3 : i32
        %parallel_loop3A_161 = arith.shrsi %parallel_loop3A_159, %parallel_loop3A_160 : i32
        %parallel_loop3A_162 = arith.constant 7 : i32
        %parallel_loop3A_163 = arith.andi %parallel_loop3A_159, %parallel_loop3A_162 : i32
        %parallel_loop3A_164 = arith.constant 16 : i32
        %parallel_loop3A_165 = arith.muli %parallel_loop3A_163, %parallel_loop3A_164 : i32
        %parallel_loop3A_166 = arith.constant 2 : i32
        %parallel_loop3A_167 = arith.muli %parallel_loop3A_80, %parallel_loop3A_166 : i32
        %parallel_loop3A_168 = arith.constant 0 : i32
        %parallel_loop3A_169 = arith.addi %parallel_loop3A_167, %parallel_loop3A_168 : i32
        %parallel_loop3A_170 = arith.constant 0 : i32
        %parallel_loop3A_171 = arith.index_cast %parallel_loop3A_170 : i32 to index
        %parallel_loop3A_172 = arith.index_cast %parallel_loop3A_169 : i32 to index
        %parallel_loop3A_173 = arith.constant 48 : index
        %parallel_loop3A_174 = tpu.vector_load %arg7[%parallel_loop3A_171, %parallel_loop3A_172, %parallel_loop3A_173] {strides = array<i32>} : memref<2x128x128xf32, #tpu.memory_space<vmem>>, vector<1x1x16xf32>,
        %parallel_loop3A_175 = vector.shape_cast %parallel_loop3A_174 : vector<1x1x16xf32> to vector<16xf32>
        %parallel_loop3A_176 = arith.index_cast %parallel_loop3A_161 : i32 to index
        %parallel_loop3A_177 = arith.index_cast %parallel_loop3A_165 : i32 to index
        %parallel_loop3A_178 = tpu.vector_load %arg5[%parallel_loop3A_176, %parallel_loop3A_177] {strides = array<i32>} : memref<128x128xf32, #tpu.memory_space<vmem>>, vector<1x16xf32>,
        %parallel_loop3A_179 = vector.shape_cast %parallel_loop3A_178 : vector<1x16xf32> to vector<16xf32>
        %parallel_loop3A_180 = vector.shape_cast %parallel_loop3A_175 : vector<16xf32> to vector<1x16xf32>
        tpu.vector_store %arg5[%parallel_loop3A_176, %parallel_loop3A_177], %parallel_loop3A_180 {add = true, strides = array<i32>} : memref<128x128xf32, #tpu.memory_space<vmem>>, vector<1x16xf32>,
        %parallel_loop3A_181 = vector.extract_strided_slice %parallel_loop3A_88 {offsets = [4], sizes = [1], strides = [1]} : vector<16xi32> to vector<1xi32>
        %parallel_loop3A_182 = vector.extract %parallel_loop3A_181[0] : i32 from vector<1xi32>
        %parallel_loop3A_183 = arith.constant 3 : i32
        %parallel_loop3A_184 = arith.shrsi %parallel_loop3A_182, %parallel_loop3A_183 : i32
        %parallel_loop3A_185 = arith.constant 7 : i32
        %parallel_loop3A_186 = arith.andi %parallel_loop3A_182, %parallel_loop3A_185 : i32
        %parallel_loop3A_187 = arith.constant 16 : i32
        %parallel_loop3A_188 = arith.muli %parallel_loop3A_186, %parallel_loop3A_187 : i32
        %parallel_loop3A_189 = arith.constant 2 : i32
        %parallel_loop3A_190 = arith.muli %parallel_loop3A_80, %parallel_loop3A_189 : i32
        %parallel_loop3A_191 = arith.constant 0 : i32
        %parallel_loop3A_192 = arith.addi %parallel_loop3A_190, %parallel_loop3A_191 : i32
        %parallel_loop3A_193 = arith.constant 0 : i32
        %parallel_loop3A_194 = arith.index_cast %parallel_loop3A_193 : i32 to index
        %parallel_loop3A_195 = arith.index_cast %parallel_loop3A_192 : i32 to index
        %parallel_loop3A_196 = arith.constant 64 : index
        %parallel_loop3A_197 = tpu.vector_load %arg7[%parallel_loop3A_194, %parallel_loop3A_195, %parallel_loop3A_196] {strides = array<i32>} : memref<2x128x128xf32, #tpu.memory_space<vmem>>, vector<1x1x16xf32>,
        %parallel_loop3A_198 = vector.shape_cast %parallel_loop3A_197 : vector<1x1x16xf32> to vector<16xf32>
        %parallel_loop3A_199 = arith.index_cast %parallel_loop3A_184 : i32 to index
        %parallel_loop3A_200 = arith.index_cast %parallel_loop3A_188 : i32 to index
        %parallel_loop3A_201 = tpu.vector_load %arg5[%parallel_loop3A_199, %parallel_loop3A_200] {strides = array<i32>} : memref<128x128xf32, #tpu.memory_space<vmem>>, vector<1x16xf32>,
        %parallel_loop3A_202 = vector.shape_cast %parallel_loop3A_201 : vector<1x16xf32> to vector<16xf32>
        %parallel_loop3A_203 = vector.shape_cast %parallel_loop3A_198 : vector<16xf32> to vector<1x16xf32>
        tpu.vector_store %arg5[%parallel_loop3A_199, %parallel_loop3A_200], %parallel_loop3A_203 {add = true, strides = array<i32>} : memref<128x128xf32, #tpu.memory_space<vmem>>, vector<1x16xf32>,
        %parallel_loop3A_204 = vector.extract_strided_slice %parallel_loop3A_88 {offsets = [5], sizes = [1], strides = [1]} : vector<16xi32> to vector<1xi32>
        %parallel_loop3A_205 = vector.extract %parallel_loop3A_204[0] : i32 from vector<1xi32>
        %parallel_loop3A_206 = arith.constant 3 : i32
        %parallel_loop3A_207 = arith.shrsi %parallel_loop3A_205, %parallel_loop3A_206 : i32
        %parallel_loop3A_208 = arith.constant 7 : i32
        %parallel_loop3A_209 = arith.andi %parallel_loop3A_205, %parallel_loop3A_208 : i32
        %parallel_loop3A_210 = arith.constant 16 : i32
        %parallel_loop3A_211 = arith.muli %parallel_loop3A_209, %parallel_loop3A_210 : i32
        %parallel_loop3A_212 = arith.constant 2 : i32
        %parallel_loop3A_213 = arith.muli %parallel_loop3A_80, %parallel_loop3A_212 : i32
        %parallel_loop3A_214 = arith.constant 0 : i32
        %parallel_loop3A_215 = arith.addi %parallel_loop3A_213, %parallel_loop3A_214 : i32
        %parallel_loop3A_216 = arith.constant 0 : i32
        %parallel_loop3A_217 = arith.index_cast %parallel_loop3A_216 : i32 to index
        %parallel_loop3A_218 = arith.index_cast %parallel_loop3A_215 : i32 to index
        %parallel_loop3A_219 = arith.constant 80 : index
        %parallel_loop3A_220 = tpu.vector_load %arg7[%parallel_loop3A_217, %parallel_loop3A_218, %parallel_loop3A_219] {strides = array<i32>} : memref<2x128x128xf32, #tpu.memory_space<vmem>>, vector<1x1x16xf32>,
        %parallel_loop3A_221 = vector.shape_cast %parallel_loop3A_220 : vector<1x1x16xf32> to vector<16xf32>
        %parallel_loop3A_222 = arith.index_cast %parallel_loop3A_207 : i32 to index
        %parallel_loop3A_223 = arith.index_cast %parallel_loop3A_211 : i32 to index
        %parallel_loop3A_224 = tpu.vector_load %arg5[%parallel_loop3A_222, %parallel_loop3A_223] {strides = array<i32>} : memref<128x128xf32, #tpu.memory_space<vmem>>, vector<1x16xf32>,
        %parallel_loop3A_225 = vector.shape_cast %parallel_loop3A_224 : vector<1x16xf32> to vector<16xf32>
        %parallel_loop3A_226 = vector.shape_cast %parallel_loop3A_221 : vector<16xf32> to vector<1x16xf32>
        tpu.vector_store %arg5[%parallel_loop3A_222, %parallel_loop3A_223], %parallel_loop3A_226 {add = true, strides = array<i32>} : memref<128x128xf32, #tpu.memory_space<vmem>>, vector<1x16xf32>,
        %parallel_loop3A_227 = vector.extract_strided_slice %parallel_loop3A_88 {offsets = [6], sizes = [1], strides = [1]} : vector<16xi32> to vector<1xi32>
        %parallel_loop3A_228 = vector.extract %parallel_loop3A_227[0] : i32 from vector<1xi32>
        %parallel_loop3A_229 = arith.constant 3 : i32
        %parallel_loop3A_230 = arith.shrsi %parallel_loop3A_228, %parallel_loop3A_229 : i32
        %parallel_loop3A_231 = arith.constant 7 : i32
        %parallel_loop3A_232 = arith.andi %parallel_loop3A_228, %parallel_loop3A_231 : i32
        %parallel_loop3A_233 = arith.constant 16 : i32
        %parallel_loop3A_234 = arith.muli %parallel_loop3A_232, %parallel_loop3A_233 : i32
        %parallel_loop3A_235 = arith.constant 2 : i32
        %parallel_loop3A_236 = arith.muli %parallel_loop3A_80, %parallel_loop3A_235 : i32
        %parallel_loop3A_237 = arith.constant 0 : i32
        %parallel_loop3A_238 = arith.addi %parallel_loop3A_236, %parallel_loop3A_237 : i32
        %parallel_loop3A_239 = arith.constant 0 : i32
        %parallel_loop3A_240 = arith.index_cast %parallel_loop3A_239 : i32 to index
        %parallel_loop3A_241 = arith.index_cast %parallel_loop3A_238 : i32 to index
        %parallel_loop3A_242 = arith.constant 96 : index
        %parallel_loop3A_243 = tpu.vector_load %arg7[%parallel_loop3A_240, %parallel_loop3A_241, %parallel_loop3A_242] {strides = array<i32>} : memref<2x128x128xf32, #tpu.memory_space<vmem>>, vector<1x1x16xf32>,
        %parallel_loop3A_244 = vector.shape_cast %parallel_loop3A_243 : vector<1x1x16xf32> to vector<16xf32>
        %parallel_loop3A_245 = arith.index_cast %parallel_loop3A_230 : i32 to index
        %parallel_loop3A_246 = arith.index_cast %parallel_loop3A_234 : i32 to index
        %parallel_loop3A_247 = tpu.vector_load %arg5[%parallel_loop3A_245, %parallel_loop3A_246] {strides = array<i32>} : memref<128x128xf32, #tpu.memory_space<vmem>>, vector<1x16xf32>,
        %parallel_loop3A_248 = vector.shape_cast %parallel_loop3A_247 : vector<1x16xf32> to vector<16xf32>
        %parallel_loop3A_249 = vector.shape_cast %parallel_loop3A_244 : vector<16xf32> to vector<1x16xf32>
        tpu.vector_store %arg5[%parallel_loop3A_245, %parallel_loop3A_246], %parallel_loop3A_249 {add = true, strides = array<i32>} : memref<128x128xf32, #tpu.memory_space<vmem>>, vector<1x16xf32>,
        %parallel_loop3A_250 = vector.extract_strided_slice %parallel_loop3A_88 {offsets = [7], sizes = [1], strides = [1]} : vector<16xi32> to vector<1xi32>
        %parallel_loop3A_251 = vector.extract %parallel_loop3A_250[0] : i32 from vector<1xi32>
        %parallel_loop3A_252 = arith.constant 3 : i32
        %parallel_loop3A_253 = arith.shrsi %parallel_loop3A_251, %parallel_loop3A_252 : i32
        %parallel_loop3A_254 = arith.constant 7 : i32
        %parallel_loop3A_255 = arith.andi %parallel_loop3A_251, %parallel_loop3A_254 : i32
        %parallel_loop3A_256 = arith.constant 16 : i32
        %parallel_loop3A_257 = arith.muli %parallel_loop3A_255, %parallel_loop3A_256 : i32
        %parallel_loop3A_258 = arith.constant 2 : i32
        %parallel_loop3A_259 = arith.muli %parallel_loop3A_80, %parallel_loop3A_258 : i32
        %parallel_loop3A_260 = arith.constant 0 : i32
        %parallel_loop3A_261 = arith.addi %parallel_loop3A_259, %parallel_loop3A_260 : i32
        %parallel_loop3A_262 = arith.constant 0 : i32
        %parallel_loop3A_263 = arith.index_cast %parallel_loop3A_262 : i32 to index
        %parallel_loop3A_264 = arith.index_cast %parallel_loop3A_261 : i32 to index
        %parallel_loop3A_265 = arith.constant 112 : index
        %parallel_loop3A_266 = tpu.vector_load %arg7[%parallel_loop3A_263, %parallel_loop3A_264, %parallel_loop3A_265] {strides = array<i32>} : memref<2x128x128xf32, #tpu.memory_space<vmem>>, vector<1x1x16xf32>,
        %parallel_loop3A_267 = vector.shape_cast %parallel_loop3A_266 : vector<1x1x16xf32> to vector<16xf32>
        %parallel_loop3A_268 = arith.index_cast %parallel_loop3A_253 : i32 to index
        %parallel_loop3A_269 = arith.index_cast %parallel_loop3A_257 : i32 to index
        %parallel_loop3A_270 = tpu.vector_load %arg5[%parallel_loop3A_268, %parallel_loop3A_269] {strides = array<i32>} : memref<128x128xf32, #tpu.memory_space<vmem>>, vector<1x16xf32>,
        %parallel_loop3A_271 = vector.shape_cast %parallel_loop3A_270 : vector<1x16xf32> to vector<16xf32>
        %parallel_loop3A_272 = vector.shape_cast %parallel_loop3A_267 : vector<16xf32> to vector<1x16xf32>
        tpu.vector_store %arg5[%parallel_loop3A_268, %parallel_loop3A_269], %parallel_loop3A_272 {add = true, strides = array<i32>} : memref<128x128xf32, #tpu.memory_space<vmem>>, vector<1x16xf32>,
        %parallel_loop3A_273 = vector.extract_strided_slice %parallel_loop3A_88 {offsets = [8], sizes = [1], strides = [1]} : vector<16xi32> to vector<1xi32>
        %parallel_loop3A_274 = vector.extract %parallel_loop3A_273[0] : i32 from vector<1xi32>
        %parallel_loop3A_275 = arith.constant 3 : i32
        %parallel_loop3A_276 = arith.shrsi %parallel_loop3A_274, %parallel_loop3A_275 : i32
        %parallel_loop3A_277 = arith.constant 7 : i32
        %parallel_loop3A_278 = arith.andi %parallel_loop3A_274, %parallel_loop3A_277 : i32
        %parallel_loop3A_279 = arith.constant 16 : i32
        %parallel_loop3A_280 = arith.muli %parallel_loop3A_278, %parallel_loop3A_279 : i32
        %parallel_loop3A_281 = arith.constant 2 : i32
        %parallel_loop3A_282 = arith.muli %parallel_loop3A_80, %parallel_loop3A_281 : i32
        %parallel_loop3A_283 = arith.constant 1 : i32
        %parallel_loop3A_284 = arith.addi %parallel_loop3A_282, %parallel_loop3A_283 : i32
        %parallel_loop3A_285 = arith.constant 0 : i32
        %parallel_loop3A_286 = arith.index_cast %parallel_loop3A_285 : i32 to index
        %parallel_loop3A_287 = arith.index_cast %parallel_loop3A_284 : i32 to index
        %parallel_loop3A_288 = arith.constant 0 : index
        %parallel_loop3A_289 = tpu.vector_load %arg7[%parallel_loop3A_286, %parallel_loop3A_287, %parallel_loop3A_288] {strides = array<i32>} : memref<2x128x128xf32, #tpu.memory_space<vmem>>, vector<1x1x16xf32>,
        %parallel_loop3A_290 = vector.shape_cast %parallel_loop3A_289 : vector<1x1x16xf32> to vector<16xf32>
        %parallel_loop3A_291 = arith.index_cast %parallel_loop3A_276 : i32 to index
        %parallel_loop3A_292 = arith.index_cast %parallel_loop3A_280 : i32 to index
        %parallel_loop3A_293 = tpu.vector_load %arg5[%parallel_loop3A_291, %parallel_loop3A_292] {strides = array<i32>} : memref<128x128xf32, #tpu.memory_space<vmem>>, vector<1x16xf32>,
        %parallel_loop3A_294 = vector.shape_cast %parallel_loop3A_293 : vector<1x16xf32> to vector<16xf32>
        %parallel_loop3A_295 = vector.shape_cast %parallel_loop3A_290 : vector<16xf32> to vector<1x16xf32>
        tpu.vector_store %arg5[%parallel_loop3A_291, %parallel_loop3A_292], %parallel_loop3A_295 {add = true, strides = array<i32>} : memref<128x128xf32, #tpu.memory_space<vmem>>, vector<1x16xf32>,
        %parallel_loop3A_296 = vector.extract_strided_slice %parallel_loop3A_88 {offsets = [9], sizes = [1], strides = [1]} : vector<16xi32> to vector<1xi32>
        %parallel_loop3A_297 = vector.extract %parallel_loop3A_296[0] : i32 from vector<1xi32>
        %parallel_loop3A_298 = arith.constant 3 : i32
        %parallel_loop3A_299 = arith.shrsi %parallel_loop3A_297, %parallel_loop3A_298 : i32
        %parallel_loop3A_300 = arith.constant 7 : i32
        %parallel_loop3A_301 = arith.andi %parallel_loop3A_297, %parallel_loop3A_300 : i32
        %parallel_loop3A_302 = arith.constant 16 : i32
        %parallel_loop3A_303 = arith.muli %parallel_loop3A_301, %parallel_loop3A_302 : i32
        %parallel_loop3A_304 = arith.constant 2 : i32
        %parallel_loop3A_305 = arith.muli %parallel_loop3A_80, %parallel_loop3A_304 : i32
        %parallel_loop3A_306 = arith.constant 1 : i32
        %parallel_loop3A_307 = arith.addi %parallel_loop3A_305, %parallel_loop3A_306 : i32
        %parallel_loop3A_308 = arith.constant 0 : i32
        %parallel_loop3A_309 = arith.index_cast %parallel_loop3A_308 : i32 to index
        %parallel_loop3A_310 = arith.index_cast %parallel_loop3A_307 : i32 to index
        %parallel_loop3A_311 = arith.constant 16 : index
        %parallel_loop3A_312 = tpu.vector_load %arg7[%parallel_loop3A_309, %parallel_loop3A_310, %parallel_loop3A_311] {strides = array<i32>} : memref<2x128x128xf32, #tpu.memory_space<vmem>>, vector<1x1x16xf32>,
        %parallel_loop3A_313 = vector.shape_cast %parallel_loop3A_312 : vector<1x1x16xf32> to vector<16xf32>
        %parallel_loop3A_314 = arith.index_cast %parallel_loop3A_299 : i32 to index
        %parallel_loop3A_315 = arith.index_cast %parallel_loop3A_303 : i32 to index
        %parallel_loop3A_316 = tpu.vector_load %arg5[%parallel_loop3A_314, %parallel_loop3A_315] {strides = array<i32>} : memref<128x128xf32, #tpu.memory_space<vmem>>, vector<1x16xf32>,
        %parallel_loop3A_317 = vector.shape_cast %parallel_loop3A_316 : vector<1x16xf32> to vector<16xf32>
        %parallel_loop3A_318 = vector.shape_cast %parallel_loop3A_313 : vector<16xf32> to vector<1x16xf32>
        tpu.vector_store %arg5[%parallel_loop3A_314, %parallel_loop3A_315], %parallel_loop3A_318 {add = true, strides = array<i32>} : memref<128x128xf32, #tpu.memory_space<vmem>>, vector<1x16xf32>,
        %parallel_loop3A_319 = vector.extract_strided_slice %parallel_loop3A_88 {offsets = [10], sizes = [1], strides = [1]} : vector<16xi32> to vector<1xi32>
        %parallel_loop3A_320 = vector.extract %parallel_loop3A_319[0] : i32 from vector<1xi32>
        %parallel_loop3A_321 = arith.constant 3 : i32
        %parallel_loop3A_322 = arith.shrsi %parallel_loop3A_320, %parallel_loop3A_321 : i32
        %parallel_loop3A_323 = arith.constant 7 : i32
        %parallel_loop3A_324 = arith.andi %parallel_loop3A_320, %parallel_loop3A_323 : i32
        %parallel_loop3A_325 = arith.constant 16 : i32
        %parallel_loop3A_326 = arith.muli %parallel_loop3A_324, %parallel_loop3A_325 : i32
        %parallel_loop3A_327 = arith.constant 2 : i32
        %parallel_loop3A_328 = arith.muli %parallel_loop3A_80, %parallel_loop3A_327 : i32
        %parallel_loop3A_329 = arith.constant 1 : i32
        %parallel_loop3A_330 = arith.addi %parallel_loop3A_328, %parallel_loop3A_329 : i32
        %parallel_loop3A_331 = arith.constant 0 : i32
        %parallel_loop3A_332 = arith.index_cast %parallel_loop3A_331 : i32 to index
        %parallel_loop3A_333 = arith.index_cast %parallel_loop3A_330 : i32 to index
        %parallel_loop3A_334 = arith.constant 32 : index
        %parallel_loop3A_335 = tpu.vector_load %arg7[%parallel_loop3A_332, %parallel_loop3A_333, %parallel_loop3A_334] {strides = array<i32>} : memref<2x128x128xf32, #tpu.memory_space<vmem>>, vector<1x1x16xf32>,
        %parallel_loop3A_336 = vector.shape_cast %parallel_loop3A_335 : vector<1x1x16xf32> to vector<16xf32>
        %parallel_loop3A_337 = arith.index_cast %parallel_loop3A_322 : i32 to index
        %parallel_loop3A_338 = arith.index_cast %parallel_loop3A_326 : i32 to index
        %parallel_loop3A_339 = tpu.vector_load %arg5[%parallel_loop3A_337, %parallel_loop3A_338] {strides = array<i32>} : memref<128x128xf32, #tpu.memory_space<vmem>>, vector<1x16xf32>,
        %parallel_loop3A_340 = vector.shape_cast %parallel_loop3A_339 : vector<1x16xf32> to vector<16xf32>
        %parallel_loop3A_341 = vector.shape_cast %parallel_loop3A_336 : vector<16xf32> to vector<1x16xf32>
        tpu.vector_store %arg5[%parallel_loop3A_337, %parallel_loop3A_338], %parallel_loop3A_341 {add = true, strides = array<i32>} : memref<128x128xf32, #tpu.memory_space<vmem>>, vector<1x16xf32>,
        %parallel_loop3A_342 = vector.extract_strided_slice %parallel_loop3A_88 {offsets = [11], sizes = [1], strides = [1]} : vector<16xi32> to vector<1xi32>
        %parallel_loop3A_343 = vector.extract %parallel_loop3A_342[0] : i32 from vector<1xi32>
        %parallel_loop3A_344 = arith.constant 3 : i32
        %parallel_loop3A_345 = arith.shrsi %parallel_loop3A_343, %parallel_loop3A_344 : i32
        %parallel_loop3A_346 = arith.constant 7 : i32
        %parallel_loop3A_347 = arith.andi %parallel_loop3A_343, %parallel_loop3A_346 : i32
        %parallel_loop3A_348 = arith.constant 16 : i32
        %parallel_loop3A_349 = arith.muli %parallel_loop3A_347, %parallel_loop3A_348 : i32
        %parallel_loop3A_350 = arith.constant 2 : i32
        %parallel_loop3A_351 = arith.muli %parallel_loop3A_80, %parallel_loop3A_350 : i32
        %parallel_loop3A_352 = arith.constant 1 : i32
        %parallel_loop3A_353 = arith.addi %parallel_loop3A_351, %parallel_loop3A_352 : i32
        %parallel_loop3A_354 = arith.constant 0 : i32
        %parallel_loop3A_355 = arith.index_cast %parallel_loop3A_354 : i32 to index
        %parallel_loop3A_356 = arith.index_cast %parallel_loop3A_353 : i32 to index
        %parallel_loop3A_357 = arith.constant 48 : index
        %parallel_loop3A_358 = tpu.vector_load %arg7[%parallel_loop3A_355, %parallel_loop3A_356, %parallel_loop3A_357] {strides = array<i32>} : memref<2x128x128xf32, #tpu.memory_space<vmem>>, vector<1x1x16xf32>,
        %parallel_loop3A_359 = vector.shape_cast %parallel_loop3A_358 : vector<1x1x16xf32> to vector<16xf32>
        %parallel_loop3A_360 = arith.index_cast %parallel_loop3A_345 : i32 to index
        %parallel_loop3A_361 = arith.index_cast %parallel_loop3A_349 : i32 to index
        %parallel_loop3A_362 = tpu.vector_load %arg5[%parallel_loop3A_360, %parallel_loop3A_361] {strides = array<i32>} : memref<128x128xf32, #tpu.memory_space<vmem>>, vector<1x16xf32>,
        %parallel_loop3A_363 = vector.shape_cast %parallel_loop3A_362 : vector<1x16xf32> to vector<16xf32>
        %parallel_loop3A_364 = vector.shape_cast %parallel_loop3A_359 : vector<16xf32> to vector<1x16xf32>
        tpu.vector_store %arg5[%parallel_loop3A_360, %parallel_loop3A_361], %parallel_loop3A_364 {add = true, strides = array<i32>} : memref<128x128xf32, #tpu.memory_space<vmem>>, vector<1x16xf32>,
        %parallel_loop3A_365 = vector.extract_strided_slice %parallel_loop3A_88 {offsets = [12], sizes = [1], strides = [1]} : vector<16xi32> to vector<1xi32>
        %parallel_loop3A_366 = vector.extract %parallel_loop3A_365[0] : i32 from vector<1xi32>
        %parallel_loop3A_367 = arith.constant 3 : i32
        %parallel_loop3A_368 = arith.shrsi %parallel_loop3A_366, %parallel_loop3A_367 : i32
        %parallel_loop3A_369 = arith.constant 7 : i32
        %parallel_loop3A_370 = arith.andi %parallel_loop3A_366, %parallel_loop3A_369 : i32
        %parallel_loop3A_371 = arith.constant 16 : i32
        %parallel_loop3A_372 = arith.muli %parallel_loop3A_370, %parallel_loop3A_371 : i32
        %parallel_loop3A_373 = arith.constant 2 : i32
        %parallel_loop3A_374 = arith.muli %parallel_loop3A_80, %parallel_loop3A_373 : i32
        %parallel_loop3A_375 = arith.constant 1 : i32
        %parallel_loop3A_376 = arith.addi %parallel_loop3A_374, %parallel_loop3A_375 : i32
        %parallel_loop3A_377 = arith.constant 0 : i32
        %parallel_loop3A_378 = arith.index_cast %parallel_loop3A_377 : i32 to index
        %parallel_loop3A_379 = arith.index_cast %parallel_loop3A_376 : i32 to index
        %parallel_loop3A_380 = arith.constant 64 : index
        %parallel_loop3A_381 = tpu.vector_load %arg7[%parallel_loop3A_378, %parallel_loop3A_379, %parallel_loop3A_380] {strides = array<i32>} : memref<2x128x128xf32, #tpu.memory_space<vmem>>, vector<1x1x16xf32>,
        %parallel_loop3A_382 = vector.shape_cast %parallel_loop3A_381 : vector<1x1x16xf32> to vector<16xf32>
        %parallel_loop3A_383 = arith.index_cast %parallel_loop3A_368 : i32 to index
        %parallel_loop3A_384 = arith.index_cast %parallel_loop3A_372 : i32 to index
        %parallel_loop3A_385 = tpu.vector_load %arg5[%parallel_loop3A_383, %parallel_loop3A_384] {strides = array<i32>} : memref<128x128xf32, #tpu.memory_space<vmem>>, vector<1x16xf32>,
        %parallel_loop3A_386 = vector.shape_cast %parallel_loop3A_385 : vector<1x16xf32> to vector<16xf32>
        %parallel_loop3A_387 = vector.shape_cast %parallel_loop3A_382 : vector<16xf32> to vector<1x16xf32>
        tpu.vector_store %arg5[%parallel_loop3A_383, %parallel_loop3A_384], %parallel_loop3A_387 {add = true, strides = array<i32>} : memref<128x128xf32, #tpu.memory_space<vmem>>, vector<1x16xf32>,
        %parallel_loop3A_388 = vector.extract_strided_slice %parallel_loop3A_88 {offsets = [13], sizes = [1], strides = [1]} : vector<16xi32> to vector<1xi32>
        %parallel_loop3A_389 = vector.extract %parallel_loop3A_388[0] : i32 from vector<1xi32>
        %parallel_loop3A_390 = arith.constant 3 : i32
        %parallel_loop3A_391 = arith.shrsi %parallel_loop3A_389, %parallel_loop3A_390 : i32
        %parallel_loop3A_392 = arith.constant 7 : i32
        %parallel_loop3A_393 = arith.andi %parallel_loop3A_389, %parallel_loop3A_392 : i32
        %parallel_loop3A_394 = arith.constant 16 : i32
        %parallel_loop3A_395 = arith.muli %parallel_loop3A_393, %parallel_loop3A_394 : i32
        %parallel_loop3A_396 = arith.constant 2 : i32
        %parallel_loop3A_397 = arith.muli %parallel_loop3A_80, %parallel_loop3A_396 : i32
        %parallel_loop3A_398 = arith.constant 1 : i32
        %parallel_loop3A_399 = arith.addi %parallel_loop3A_397, %parallel_loop3A_398 : i32
        %parallel_loop3A_400 = arith.constant 0 : i32
        %parallel_loop3A_401 = arith.index_cast %parallel_loop3A_400 : i32 to index
        %parallel_loop3A_402 = arith.index_cast %parallel_loop3A_399 : i32 to index
        %parallel_loop3A_403 = arith.constant 80 : index
        %parallel_loop3A_404 = tpu.vector_load %arg7[%parallel_loop3A_401, %parallel_loop3A_402, %parallel_loop3A_403] {strides = array<i32>} : memref<2x128x128xf32, #tpu.memory_space<vmem>>, vector<1x1x16xf32>,
        %parallel_loop3A_405 = vector.shape_cast %parallel_loop3A_404 : vector<1x1x16xf32> to vector<16xf32>
        %parallel_loop3A_406 = arith.index_cast %parallel_loop3A_391 : i32 to index
        %parallel_loop3A_407 = arith.index_cast %parallel_loop3A_395 : i32 to index
        %parallel_loop3A_408 = tpu.vector_load %arg5[%parallel_loop3A_406, %parallel_loop3A_407] {strides = array<i32>} : memref<128x128xf32, #tpu.memory_space<vmem>>, vector<1x16xf32>,
        %parallel_loop3A_409 = vector.shape_cast %parallel_loop3A_408 : vector<1x16xf32> to vector<16xf32>
        %parallel_loop3A_410 = vector.shape_cast %parallel_loop3A_405 : vector<16xf32> to vector<1x16xf32>
        tpu.vector_store %arg5[%parallel_loop3A_406, %parallel_loop3A_407], %parallel_loop3A_410 {add = true, strides = array<i32>} : memref<128x128xf32, #tpu.memory_space<vmem>>, vector<1x16xf32>,
        %parallel_loop3A_411 = vector.extract_strided_slice %parallel_loop3A_88 {offsets = [14], sizes = [1], strides = [1]} : vector<16xi32> to vector<1xi32>
        %parallel_loop3A_412 = vector.extract %parallel_loop3A_411[0] : i32 from vector<1xi32>
        %parallel_loop3A_413 = arith.constant 3 : i32
        %parallel_loop3A_414 = arith.shrsi %parallel_loop3A_412, %parallel_loop3A_413 : i32
        %parallel_loop3A_415 = arith.constant 7 : i32
        %parallel_loop3A_416 = arith.andi %parallel_loop3A_412, %parallel_loop3A_415 : i32
        %parallel_loop3A_417 = arith.constant 16 : i32
        %parallel_loop3A_418 = arith.muli %parallel_loop3A_416, %parallel_loop3A_417 : i32
        %parallel_loop3A_419 = arith.constant 2 : i32
        %parallel_loop3A_420 = arith.muli %parallel_loop3A_80, %parallel_loop3A_419 : i32
        %parallel_loop3A_421 = arith.constant 1 : i32
        %parallel_loop3A_422 = arith.addi %parallel_loop3A_420, %parallel_loop3A_421 : i32
        %parallel_loop3A_423 = arith.constant 0 : i32
        %parallel_loop3A_424 = arith.index_cast %parallel_loop3A_423 : i32 to index
        %parallel_loop3A_425 = arith.index_cast %parallel_loop3A_422 : i32 to index
        %parallel_loop3A_426 = arith.constant 96 : index
        %parallel_loop3A_427 = tpu.vector_load %arg7[%parallel_loop3A_424, %parallel_loop3A_425, %parallel_loop3A_426] {strides = array<i32>} : memref<2x128x128xf32, #tpu.memory_space<vmem>>, vector<1x1x16xf32>,
        %parallel_loop3A_428 = vector.shape_cast %parallel_loop3A_427 : vector<1x1x16xf32> to vector<16xf32>
        %parallel_loop3A_429 = arith.index_cast %parallel_loop3A_414 : i32 to index
        %parallel_loop3A_430 = arith.index_cast %parallel_loop3A_418 : i32 to index
        %parallel_loop3A_431 = tpu.vector_load %arg5[%parallel_loop3A_429, %parallel_loop3A_430] {strides = array<i32>} : memref<128x128xf32, #tpu.memory_space<vmem>>, vector<1x16xf32>,
        %parallel_loop3A_432 = vector.shape_cast %parallel_loop3A_431 : vector<1x16xf32> to vector<16xf32>
        %parallel_loop3A_433 = vector.shape_cast %parallel_loop3A_428 : vector<16xf32> to vector<1x16xf32>
        tpu.vector_store %arg5[%parallel_loop3A_429, %parallel_loop3A_430], %parallel_loop3A_433 {add = true, strides = array<i32>} : memref<128x128xf32, #tpu.memory_space<vmem>>, vector<1x16xf32>,
        %parallel_loop3A_434 = vector.extract_strided_slice %parallel_loop3A_88 {offsets = [15], sizes = [1], strides = [1]} : vector<16xi32> to vector<1xi32>
        %parallel_loop3A_435 = vector.extract %parallel_loop3A_434[0] : i32 from vector<1xi32>
        %parallel_loop3A_436 = arith.constant 3 : i32
        %parallel_loop3A_437 = arith.shrsi %parallel_loop3A_435, %parallel_loop3A_436 : i32
        %parallel_loop3A_438 = arith.constant 7 : i32
        %parallel_loop3A_439 = arith.andi %parallel_loop3A_435, %parallel_loop3A_438 : i32
        %parallel_loop3A_440 = arith.constant 16 : i32
        %parallel_loop3A_441 = arith.muli %parallel_loop3A_439, %parallel_loop3A_440 : i32
        %parallel_loop3A_442 = arith.constant 2 : i32
        %parallel_loop3A_443 = arith.muli %parallel_loop3A_80, %parallel_loop3A_442 : i32
        %parallel_loop3A_444 = arith.constant 1 : i32
        %parallel_loop3A_445 = arith.addi %parallel_loop3A_443, %parallel_loop3A_444 : i32
        %parallel_loop3A_446 = arith.constant 0 : i32
        %parallel_loop3A_447 = arith.index_cast %parallel_loop3A_446 : i32 to index
        %parallel_loop3A_448 = arith.index_cast %parallel_loop3A_445 : i32 to index
        %parallel_loop3A_449 = arith.constant 112 : index
        %parallel_loop3A_450 = tpu.vector_load %arg7[%parallel_loop3A_447, %parallel_loop3A_448, %parallel_loop3A_449] {strides = array<i32>} : memref<2x128x128xf32, #tpu.memory_space<vmem>>, vector<1x1x16xf32>,
        %parallel_loop3A_451 = vector.shape_cast %parallel_loop3A_450 : vector<1x1x16xf32> to vector<16xf32>
        %parallel_loop3A_452 = arith.index_cast %parallel_loop3A_437 : i32 to index
        %parallel_loop3A_453 = arith.index_cast %parallel_loop3A_441 : i32 to index
        %parallel_loop3A_454 = tpu.vector_load %arg5[%parallel_loop3A_452, %parallel_loop3A_453] {strides = array<i32>} : memref<128x128xf32, #tpu.memory_space<vmem>>, vector<1x16xf32>,
        %parallel_loop3A_455 = vector.shape_cast %parallel_loop3A_454 : vector<1x16xf32> to vector<16xf32>
        %parallel_loop3A_456 = vector.shape_cast %parallel_loop3A_451 : vector<16xf32> to vector<1x16xf32>
        tpu.vector_store %arg5[%parallel_loop3A_452, %parallel_loop3A_453], %parallel_loop3A_456 {add = true, strides = array<i32>} : memref<128x128xf32, #tpu.memory_space<vmem>>, vector<1x16xf32>,
      } {sc.loop_unroll_factor = 2 : i64, sc.parallel_access}
      %add3A_52 = arith.constant 1 : i32
      %add3A_53 = arith.addi %mul3A_44, %add3A_52 : i32
      %lt3A_54 = arith.constant 32 : i32
      %lt3A_55 = arith.cmpi slt, %add3A_53, %lt3A_54 : i32
      %convert_element_type3A_56 = arith.extui %lt3A_55 : i1 to i32
      %cond3A_57 = arith.constant 0 : i32
      %cond3A_58 = arith.cmpi ne, %convert_element_type3A_56, %cond3A_57 : i32
      scf.if %cond3A_58 {
        %dma_wait3A_80 = arith.constant 1 : i32
        %dma_wait3A_81 = arith.constant 0 : i32
        %dma_wait3A_82 = arith.constant 0 : i32
        %dma_wait3A_83 = tpu.memref_slice %arg7[%dma_wait3A_80, %dma_wait3A_81, %dma_wait3A_82] : memref<2x128x128xf32, #tpu.memory_space<vmem>> -> memref<1x128x128xf32, #tpu.memory_space<vmem>>
        %dma_wait3A_84 = tpu.memref_squeeze %dma_wait3A_83 : memref<1x128x128xf32, #tpu.memory_space<vmem>> -> memref<128x128xf32, #tpu.memory_space<vmem>>
        %dma_wait3A_85 = arith.constant 0 : i32
        %dma_wait3A_86 = arith.constant 0 : i32
        %dma_wait3A_87 = tpu.memref_slice %arg2[%arg1, %dma_wait3A_85, %dma_wait3A_86] : memref<16x8192x128xf32, #tpu.memory_space<hbm>> -> memref<1x128x128xf32, #tpu.memory_space<hbm>>
        %dma_wait3A_88 = tpu.memref_squeeze %dma_wait3A_87 : memref<1x128x128xf32, #tpu.memory_space<hbm>> -> memref<128x128xf32, #tpu.memory_space<hbm>>
        %dma_wait3A_89 = arith.constant 0 : i32
        %dma_wait3A_90 = arith.constant 0 : i32
        %dma_wait3A_91 = tpu.memref_slice %arg7[%dma_wait3A_80, %dma_wait3A_89, %dma_wait3A_90] : memref<2x128x128xf32, #tpu.memory_space<vmem>> -> memref<1x128x128xf32, #tpu.memory_space<vmem>>
        %dma_wait3A_92 = tpu.memref_squeeze %dma_wait3A_91 : memref<1x128x128xf32, #tpu.memory_space<vmem>> -> memref<128x128xf32, #tpu.memory_space<vmem>>
        %dma_wait3A_93 = arith.constant 0 : i32
        %dma_wait3A_94 = arith.constant 0 : i32
        %dma_wait3A_95 = tpu.memref_slice %arg2[%arg1, %dma_wait3A_93, %dma_wait3A_94] : memref<16x8192x128xf32, #tpu.memory_space<hbm>> -> memref<1x128x128xf32, #tpu.memory_space<hbm>>
        %dma_wait3A_96 = tpu.memref_squeeze %dma_wait3A_95 : memref<1x128x128xf32, #tpu.memory_space<hbm>> -> memref<128x128xf32, #tpu.memory_space<hbm>>
        tpu.wait_dma2 semaphore(%arg9 : memref<!tpu.dma_semaphore, #tpu.memory_space<semaphore_mem>>) src(%dma_wait3A_96 : memref<128x128xf32, #tpu.memory_space<hbm>>) dst(%dma_wait3A_92 : memref<128x128xf32, #tpu.memory_space<vmem>>)
      } else {
      }
      %add3A_59 = arith.constant 2 : i32
      %add3A_60 = arith.addi %mul3A_44, %add3A_59 : i32
      %lt3A_61 = arith.constant 32 : i32
      %lt3A_62 = arith.cmpi slt, %add3A_60, %lt3A_61 : i32
      %convert_element_type3A_63 = arith.extui %lt3A_62 : i1 to i32
      %cond3A_64 = arith.constant 0 : i32
      %cond3A_65 = arith.cmpi ne, %convert_element_type3A_63, %cond3A_64 : i32
      scf.if %cond3A_65 {
        %add3A_80 = arith.constant 2 : i32
        %add3A_81 = arith.addi %mul3A_44, %add3A_80 : i32
        %mul3A_82 = arith.constant 4096 : i32
        %mul3A_83 = arith.muli %arg0, %mul3A_82 : i32
        %mul3A_84 = arith.constant 128 : i32
        %mul3A_85 = arith.muli %add3A_81, %mul3A_84 : i32
        %add3A_86 = arith.addi %mul3A_83, %mul3A_85 : i32
        %dma_start3A_87 = arith.constant 0 : i32
        %dma_start3A_88 = arith.constant 0 : i32
        %dma_start3A_89 = arith.constant 0 : i32
        %dma_start3A_90 = tpu.memref_slice %arg7[%dma_start3A_87, %dma_start3A_88, %dma_start3A_89] : memref<2x128x128xf32, #tpu.memory_space<vmem>> -> memref<1x128x128xf32, #tpu.memory_space<vmem>>
        %dma_start3A_91 = tpu.memref_squeeze %dma_start3A_90 : memref<1x128x128xf32, #tpu.memory_space<vmem>> -> memref<128x128xf32, #tpu.memory_space<vmem>>
        %dma_start3A_92 = arith.constant 0 : i32
        %dma_start3A_93 = tpu.memref_slice %arg2[%arg1, %add3A_86, %dma_start3A_92] : memref<16x8192x128xf32, #tpu.memory_space<hbm>> -> memref<1x128x128xf32, #tpu.memory_space<hbm>>
        %dma_start3A_94 = tpu.memref_squeeze %dma_start3A_93 : memref<1x128x128xf32, #tpu.memory_space<hbm>> -> memref<128x128xf32, #tpu.memory_space<hbm>>
        %dma_start3A_95 = arith.constant 0 : i32
        %dma_start3A_96 = arith.constant 0 : i32
        %dma_start3A_97 = tpu.memref_slice %arg7[%dma_start3A_87, %dma_start3A_95, %dma_start3A_96] : memref<2x128x128xf32, #tpu.memory_space<vmem>> -> memref<1x128x128xf32, #tpu.memory_space<vmem>>
        %dma_start3A_98 = tpu.memref_squeeze %dma_start3A_97 : memref<1x128x128xf32, #tpu.memory_space<vmem>> -> memref<128x128xf32, #tpu.memory_space<vmem>>
        %dma_start3A_99 = arith.constant 0 : i32
        %dma_start3A_100 = tpu.memref_slice %arg2[%arg1, %add3A_86, %dma_start3A_99] : memref<16x8192x128xf32, #tpu.memory_space<hbm>> -> memref<1x128x128xf32, #tpu.memory_space<hbm>>
        %dma_start3A_101 = tpu.memref_squeeze %dma_start3A_100 : memref<1x128x128xf32, #tpu.memory_space<hbm>> -> memref<128x128xf32, #tpu.memory_space<hbm>>
        tpu.enqueue_dma source(%dma_start3A_101 : memref<128x128xf32, #tpu.memory_space<hbm>>) target(%dma_start3A_98 : memref<128x128xf32, #tpu.memory_space<vmem>>) target_semaphore(%arg8 : memref<!tpu.dma_semaphore, #tpu.memory_space<semaphore_mem>>)
      } else {
      }
      %add3A_66 = arith.constant 1 : i32
      %add3A_67 = arith.addi %mul3A_44, %add3A_66 : i32
      %lt3A_68 = arith.constant 32 : i32
      %lt3A_69 = arith.cmpi slt, %add3A_67, %lt3A_68 : i32
      %convert_element_type3A_70 = arith.extui %lt3A_69 : i1 to i32
      %cond3A_71 = arith.constant 0 : i32
      %cond3A_72 = arith.cmpi ne, %convert_element_type3A_70, %cond3A_71 : i32
      scf.if %cond3A_72 {
        %add3A_80 = arith.constant 1 : i32
        %add3A_81 = arith.addi %mul3A_44, %add3A_80 : i32
        %parallel_loop3A_82 = arith.constant 0 : i32
        %parallel_loop3A_83 = arith.constant 64 : i32
        %parallel_loop3A_84 = arith.constant 1 : i32
        scf.for %parallel_loop3A_85 = %parallel_loop3A_82 to %parallel_loop3A_83 step %parallel_loop3A_84  : i32 {
          %parallel_loop3A_86 = arith.constant 1024 : i32
          %parallel_loop3A_87 = arith.muli %add3A_81, %parallel_loop3A_86 : i32
          %parallel_loop3A_88 = arith.constant 16 : i32
          %parallel_loop3A_89 = arith.muli %parallel_loop3A_85, %parallel_loop3A_88 : i32
          %parallel_loop3A_90 = arith.addi %parallel_loop3A_87, %parallel_loop3A_89 : i32
          %parallel_loop3A_91 = arith.index_cast %parallel_loop3A_90 : i32 to index
          %parallel_loop3A_92 = tpu.vector_load %arg6[%parallel_loop3A_91] {strides = array<i32>} : memref<32768xi32, #tpu.memory_space<vmem>>, vector<16xi32>,
          %parallel_loop3A_93 = vector.shape_cast %parallel_loop3A_92 : vector<16xi32> to vector<16xi32>
          %parallel_loop3A_94 = vector.extract_strided_slice %parallel_loop3A_93 {offsets = [0], sizes = [1], strides = [1]} : vector<16xi32> to vector<1xi32>
          %parallel_loop3A_95 = vector.extract %parallel_loop3A_94[0] : i32 from vector<1xi32>
          %parallel_loop3A_96 = arith.constant 3 : i32
          %parallel_loop3A_97 = arith.shrsi %parallel_loop3A_95, %parallel_loop3A_96 : i32
          %parallel_loop3A_98 = arith.constant 7 : i32
          %parallel_loop3A_99 = arith.andi %parallel_loop3A_95, %parallel_loop3A_98 : i32
          %parallel_loop3A_100 = arith.constant 16 : i32
          %parallel_loop3A_101 = arith.muli %parallel_loop3A_99, %parallel_loop3A_100 : i32
          %parallel_loop3A_102 = arith.constant 2 : i32
          %parallel_loop3A_103 = arith.muli %parallel_loop3A_85, %parallel_loop3A_102 : i32
          %parallel_loop3A_104 = arith.constant 0 : i32
          %parallel_loop3A_105 = arith.addi %parallel_loop3A_103, %parallel_loop3A_104 : i32
          %parallel_loop3A_106 = arith.constant 1 : i32
          %parallel_loop3A_107 = arith.index_cast %parallel_loop3A_106 : i32 to index
          %parallel_loop3A_108 = arith.index_cast %parallel_loop3A_105 : i32 to index
          %parallel_loop3A_109 = arith.constant 0 : index
          %parallel_loop3A_110 = tpu.vector_load %arg7[%parallel_loop3A_107, %parallel_loop3A_108, %parallel_loop3A_109] {strides = array<i32>} : memref<2x128x128xf32, #tpu.memory_space<vmem>>, vector<1x1x16xf32>,
          %parallel_loop3A_111 = vector.shape_cast %parallel_loop3A_110 : vector<1x1x16xf32> to vector<16xf32>
          %parallel_loop3A_112 = arith.index_cast %parallel_loop3A_97 : i32 to index
          %parallel_loop3A_113 = arith.index_cast %parallel_loop3A_101 : i32 to index
          %parallel_loop3A_114 = tpu.vector_load %arg5[%parallel_loop3A_112, %parallel_loop3A_113] {strides = array<i32>} : memref<128x128xf32, #tpu.memory_space<vmem>>, vector<1x16xf32>,
          %parallel_loop3A_115 = vector.shape_cast %parallel_loop3A_114 : vector<1x16xf32> to vector<16xf32>
          %parallel_loop3A_116 = vector.shape_cast %parallel_loop3A_111 : vector<16xf32> to vector<1x16xf32>
          tpu.vector_store %arg5[%parallel_loop3A_112, %parallel_loop3A_113], %parallel_loop3A_116 {add = true, strides = array<i32>} : memref<128x128xf32, #tpu.memory_space<vmem>>, vector<1x16xf32>,
          %parallel_loop3A_117 = vector.extract_strided_slice %parallel_loop3A_93 {offsets = [1], sizes = [1], strides = [1]} : vector<16xi32> to vector<1xi32>
          %parallel_loop3A_118 = vector.extract %parallel_loop3A_117[0] : i32 from vector<1xi32>
          %parallel_loop3A_119 = arith.constant 3 : i32
          %parallel_loop3A_120 = arith.shrsi %parallel_loop3A_118, %parallel_loop3A_119 : i32
          %parallel_loop3A_121 = arith.constant 7 : i32
          %parallel_loop3A_122 = arith.andi %parallel_loop3A_118, %parallel_loop3A_121 : i32
          %parallel_loop3A_123 = arith.constant 16 : i32
          %parallel_loop3A_124 = arith.muli %parallel_loop3A_122, %parallel_loop3A_123 : i32
          %parallel_loop3A_125 = arith.constant 2 : i32
          %parallel_loop3A_126 = arith.muli %parallel_loop3A_85, %parallel_loop3A_125 : i32
          %parallel_loop3A_127 = arith.constant 0 : i32
          %parallel_loop3A_128 = arith.addi %parallel_loop3A_126, %parallel_loop3A_127 : i32
          %parallel_loop3A_129 = arith.constant 1 : i32
          %parallel_loop3A_130 = arith.index_cast %parallel_loop3A_129 : i32 to index
          %parallel_loop3A_131 = arith.index_cast %parallel_loop3A_128 : i32 to index
          %parallel_loop3A_132 = arith.constant 16 : index
          %parallel_loop3A_133 = tpu.vector_load %arg7[%parallel_loop3A_130, %parallel_loop3A_131, %parallel_loop3A_132] {strides = array<i32>} : memref<2x128x128xf32, #tpu.memory_space<vmem>>, vector<1x1x16xf32>,
          %parallel_loop3A_134 = vector.shape_cast %parallel_loop3A_133 : vector<1x1x16xf32> to vector<16xf32>
          %parallel_loop3A_135 = arith.index_cast %parallel_loop3A_120 : i32 to index
          %parallel_loop3A_136 = arith.index_cast %parallel_loop3A_124 : i32 to index
          %parallel_loop3A_137 = tpu.vector_load %arg5[%parallel_loop3A_135, %parallel_loop3A_136] {strides = array<i32>} : memref<128x128xf32, #tpu.memory_space<vmem>>, vector<1x16xf32>,
          %parallel_loop3A_138 = vector.shape_cast %parallel_loop3A_137 : vector<1x16xf32> to vector<16xf32>
          %parallel_loop3A_139 = vector.shape_cast %parallel_loop3A_134 : vector<16xf32> to vector<1x16xf32>
          tpu.vector_store %arg5[%parallel_loop3A_135, %parallel_loop3A_136], %parallel_loop3A_139 {add = true, strides = array<i32>} : memref<128x128xf32, #tpu.memory_space<vmem>>, vector<1x16xf32>,
          %parallel_loop3A_140 = vector.extract_strided_slice %parallel_loop3A_93 {offsets = [2], sizes = [1], strides = [1]} : vector<16xi32> to vector<1xi32>
          %parallel_loop3A_141 = vector.extract %parallel_loop3A_140[0] : i32 from vector<1xi32>
          %parallel_loop3A_142 = arith.constant 3 : i32
          %parallel_loop3A_143 = arith.shrsi %parallel_loop3A_141, %parallel_loop3A_142 : i32
          %parallel_loop3A_144 = arith.constant 7 : i32
          %parallel_loop3A_145 = arith.andi %parallel_loop3A_141, %parallel_loop3A_144 : i32
          %parallel_loop3A_146 = arith.constant 16 : i32
          %parallel_loop3A_147 = arith.muli %parallel_loop3A_145, %parallel_loop3A_146 : i32
          %parallel_loop3A_148 = arith.constant 2 : i32
          %parallel_loop3A_149 = arith.muli %parallel_loop3A_85, %parallel_loop3A_148 : i32
          %parallel_loop3A_150 = arith.constant 0 : i32
          %parallel_loop3A_151 = arith.addi %parallel_loop3A_149, %parallel_loop3A_150 : i32
          %parallel_loop3A_152 = arith.constant 1 : i32
          %parallel_loop3A_153 = arith.index_cast %parallel_loop3A_152 : i32 to index
          %parallel_loop3A_154 = arith.index_cast %parallel_loop3A_151 : i32 to index
          %parallel_loop3A_155 = arith.constant 32 : index
          %parallel_loop3A_156 = tpu.vector_load %arg7[%parallel_loop3A_153, %parallel_loop3A_154, %parallel_loop3A_155] {strides = array<i32>} : memref<2x128x128xf32, #tpu.memory_space<vmem>>, vector<1x1x16xf32>,
          %parallel_loop3A_157 = vector.shape_cast %parallel_loop3A_156 : vector<1x1x16xf32> to vector<16xf32>
          %parallel_loop3A_158 = arith.index_cast %parallel_loop3A_143 : i32 to index
          %parallel_loop3A_159 = arith.index_cast %parallel_loop3A_147 : i32 to index
          %parallel_loop3A_160 = tpu.vector_load %arg5[%parallel_loop3A_158, %parallel_loop3A_159] {strides = array<i32>} : memref<128x128xf32, #tpu.memory_space<vmem>>, vector<1x16xf32>,
          %parallel_loop3A_161 = vector.shape_cast %parallel_loop3A_160 : vector<1x16xf32> to vector<16xf32>
          %parallel_loop3A_162 = vector.shape_cast %parallel_loop3A_157 : vector<16xf32> to vector<1x16xf32>
          tpu.vector_store %arg5[%parallel_loop3A_158, %parallel_loop3A_159], %parallel_loop3A_162 {add = true, strides = array<i32>} : memref<128x128xf32, #tpu.memory_space<vmem>>, vector<1x16xf32>,
          %parallel_loop3A_163 = vector.extract_strided_slice %parallel_loop3A_93 {offsets = [3], sizes = [1], strides = [1]} : vector<16xi32> to vector<1xi32>
          %parallel_loop3A_164 = vector.extract %parallel_loop3A_163[0] : i32 from vector<1xi32>
          %parallel_loop3A_165 = arith.constant 3 : i32
          %parallel_loop3A_166 = arith.shrsi %parallel_loop3A_164, %parallel_loop3A_165 : i32
          %parallel_loop3A_167 = arith.constant 7 : i32
          %parallel_loop3A_168 = arith.andi %parallel_loop3A_164, %parallel_loop3A_167 : i32
          %parallel_loop3A_169 = arith.constant 16 : i32
          %parallel_loop3A_170 = arith.muli %parallel_loop3A_168, %parallel_loop3A_169 : i32
          %parallel_loop3A_171 = arith.constant 2 : i32
          %parallel_loop3A_172 = arith.muli %parallel_loop3A_85, %parallel_loop3A_171 : i32
          %parallel_loop3A_173 = arith.constant 0 : i32
          %parallel_loop3A_174 = arith.addi %parallel_loop3A_172, %parallel_loop3A_173 : i32
          %parallel_loop3A_175 = arith.constant 1 : i32
          %parallel_loop3A_176 = arith.index_cast %parallel_loop3A_175 : i32 to index
          %parallel_loop3A_177 = arith.index_cast %parallel_loop3A_174 : i32 to index
          %parallel_loop3A_178 = arith.constant 48 : index
          %parallel_loop3A_179 = tpu.vector_load %arg7[%parallel_loop3A_176, %parallel_loop3A_177, %parallel_loop3A_178] {strides = array<i32>} : memref<2x128x128xf32, #tpu.memory_space<vmem>>, vector<1x1x16xf32>,
          %parallel_loop3A_180 = vector.shape_cast %parallel_loop3A_179 : vector<1x1x16xf32> to vector<16xf32>
          %parallel_loop3A_181 = arith.index_cast %parallel_loop3A_166 : i32 to index
          %parallel_loop3A_182 = arith.index_cast %parallel_loop3A_170 : i32 to index
          %parallel_loop3A_183 = tpu.vector_load %arg5[%parallel_loop3A_181, %parallel_loop3A_182] {strides = array<i32>} : memref<128x128xf32, #tpu.memory_space<vmem>>, vector<1x16xf32>,
          %parallel_loop3A_184 = vector.shape_cast %parallel_loop3A_183 : vector<1x16xf32> to vector<16xf32>
          %parallel_loop3A_185 = vector.shape_cast %parallel_loop3A_180 : vector<16xf32> to vector<1x16xf32>
          tpu.vector_store %arg5[%parallel_loop3A_181, %parallel_loop3A_182], %parallel_loop3A_185 {add = true, strides = array<i32>} : memref<128x128xf32, #tpu.memory_space<vmem>>, vector<1x16xf32>,
          %parallel_loop3A_186 = vector.extract_strided_slice %parallel_loop3A_93 {offsets = [4], sizes = [1], strides = [1]} : vector<16xi32> to vector<1xi32>
          %parallel_loop3A_187 = vector.extract %parallel_loop3A_186[0] : i32 from vector<1xi32>
          %parallel_loop3A_188 = arith.constant 3 : i32
          %parallel_loop3A_189 = arith.shrsi %parallel_loop3A_187, %parallel_loop3A_188 : i32
          %parallel_loop3A_190 = arith.constant 7 : i32
          %parallel_loop3A_191 = arith.andi %parallel_loop3A_187, %parallel_loop3A_190 : i32
          %parallel_loop3A_192 = arith.constant 16 : i32
          %parallel_loop3A_193 = arith.muli %parallel_loop3A_191, %parallel_loop3A_192 : i32
          %parallel_loop3A_194 = arith.constant 2 : i32
          %parallel_loop3A_195 = arith.muli %parallel_loop3A_85, %parallel_loop3A_194 : i32
          %parallel_loop3A_196 = arith.constant 0 : i32
          %parallel_loop3A_197 = arith.addi %parallel_loop3A_195, %parallel_loop3A_196 : i32
          %parallel_loop3A_198 = arith.constant 1 : i32
          %parallel_loop3A_199 = arith.index_cast %parallel_loop3A_198 : i32 to index
          %parallel_loop3A_200 = arith.index_cast %parallel_loop3A_197 : i32 to index
          %parallel_loop3A_201 = arith.constant 64 : index
          %parallel_loop3A_202 = tpu.vector_load %arg7[%parallel_loop3A_199, %parallel_loop3A_200, %parallel_loop3A_201] {strides = array<i32>} : memref<2x128x128xf32, #tpu.memory_space<vmem>>, vector<1x1x16xf32>,
          %parallel_loop3A_203 = vector.shape_cast %parallel_loop3A_202 : vector<1x1x16xf32> to vector<16xf32>
          %parallel_loop3A_204 = arith.index_cast %parallel_loop3A_189 : i32 to index
          %parallel_loop3A_205 = arith.index_cast %parallel_loop3A_193 : i32 to index
          %parallel_loop3A_206 = tpu.vector_load %arg5[%parallel_loop3A_204, %parallel_loop3A_205] {strides = array<i32>} : memref<128x128xf32, #tpu.memory_space<vmem>>, vector<1x16xf32>,
          %parallel_loop3A_207 = vector.shape_cast %parallel_loop3A_206 : vector<1x16xf32> to vector<16xf32>
          %parallel_loop3A_208 = vector.shape_cast %parallel_loop3A_203 : vector<16xf32> to vector<1x16xf32>
          tpu.vector_store %arg5[%parallel_loop3A_204, %parallel_loop3A_205], %parallel_loop3A_208 {add = true, strides = array<i32>} : memref<128x128xf32, #tpu.memory_space<vmem>>, vector<1x16xf32>,
          %parallel_loop3A_209 = vector.extract_strided_slice %parallel_loop3A_93 {offsets = [5], sizes = [1], strides = [1]} : vector<16xi32> to vector<1xi32>
          %parallel_loop3A_210 = vector.extract %parallel_loop3A_209[0] : i32 from vector<1xi32>
          %parallel_loop3A_211 = arith.constant 3 : i32
          %parallel_loop3A_212 = arith.shrsi %parallel_loop3A_210, %parallel_loop3A_211 : i32
          %parallel_loop3A_213 = arith.constant 7 : i32
          %parallel_loop3A_214 = arith.andi %parallel_loop3A_210, %parallel_loop3A_213 : i32
          %parallel_loop3A_215 = arith.constant 16 : i32
          %parallel_loop3A_216 = arith.muli %parallel_loop3A_214, %parallel_loop3A_215 : i32
          %parallel_loop3A_217 = arith.constant 2 : i32
          %parallel_loop3A_218 = arith.muli %parallel_loop3A_85, %parallel_loop3A_217 : i32
          %parallel_loop3A_219 = arith.constant 0 : i32
          %parallel_loop3A_220 = arith.addi %parallel_loop3A_218, %parallel_loop3A_219 : i32
          %parallel_loop3A_221 = arith.constant 1 : i32
          %parallel_loop3A_222 = arith.index_cast %parallel_loop3A_221 : i32 to index
          %parallel_loop3A_223 = arith.index_cast %parallel_loop3A_220 : i32 to index
          %parallel_loop3A_224 = arith.constant 80 : index
          %parallel_loop3A_225 = tpu.vector_load %arg7[%parallel_loop3A_222, %parallel_loop3A_223, %parallel_loop3A_224] {strides = array<i32>} : memref<2x128x128xf32, #tpu.memory_space<vmem>>, vector<1x1x16xf32>,
          %parallel_loop3A_226 = vector.shape_cast %parallel_loop3A_225 : vector<1x1x16xf32> to vector<16xf32>
          %parallel_loop3A_227 = arith.index_cast %parallel_loop3A_212 : i32 to index
          %parallel_loop3A_228 = arith.index_cast %parallel_loop3A_216 : i32 to index
          %parallel_loop3A_229 = tpu.vector_load %arg5[%parallel_loop3A_227, %parallel_loop3A_228] {strides = array<i32>} : memref<128x128xf32, #tpu.memory_space<vmem>>, vector<1x16xf32>,
          %parallel_loop3A_230 = vector.shape_cast %parallel_loop3A_229 : vector<1x16xf32> to vector<16xf32>
          %parallel_loop3A_231 = vector.shape_cast %parallel_loop3A_226 : vector<16xf32> to vector<1x16xf32>
          tpu.vector_store %arg5[%parallel_loop3A_227, %parallel_loop3A_228], %parallel_loop3A_231 {add = true, strides = array<i32>} : memref<128x128xf32, #tpu.memory_space<vmem>>, vector<1x16xf32>,
          %parallel_loop3A_232 = vector.extract_strided_slice %parallel_loop3A_93 {offsets = [6], sizes = [1], strides = [1]} : vector<16xi32> to vector<1xi32>
          %parallel_loop3A_233 = vector.extract %parallel_loop3A_232[0] : i32 from vector<1xi32>
          %parallel_loop3A_234 = arith.constant 3 : i32
          %parallel_loop3A_235 = arith.shrsi %parallel_loop3A_233, %parallel_loop3A_234 : i32
          %parallel_loop3A_236 = arith.constant 7 : i32
          %parallel_loop3A_237 = arith.andi %parallel_loop3A_233, %parallel_loop3A_236 : i32
          %parallel_loop3A_238 = arith.constant 16 : i32
          %parallel_loop3A_239 = arith.muli %parallel_loop3A_237, %parallel_loop3A_238 : i32
          %parallel_loop3A_240 = arith.constant 2 : i32
          %parallel_loop3A_241 = arith.muli %parallel_loop3A_85, %parallel_loop3A_240 : i32
          %parallel_loop3A_242 = arith.constant 0 : i32
          %parallel_loop3A_243 = arith.addi %parallel_loop3A_241, %parallel_loop3A_242 : i32
          %parallel_loop3A_244 = arith.constant 1 : i32
          %parallel_loop3A_245 = arith.index_cast %parallel_loop3A_244 : i32 to index
          %parallel_loop3A_246 = arith.index_cast %parallel_loop3A_243 : i32 to index
          %parallel_loop3A_247 = arith.constant 96 : index
          %parallel_loop3A_248 = tpu.vector_load %arg7[%parallel_loop3A_245, %parallel_loop3A_246, %parallel_loop3A_247] {strides = array<i32>} : memref<2x128x128xf32, #tpu.memory_space<vmem>>, vector<1x1x16xf32>,
          %parallel_loop3A_249 = vector.shape_cast %parallel_loop3A_248 : vector<1x1x16xf32> to vector<16xf32>
          %parallel_loop3A_250 = arith.index_cast %parallel_loop3A_235 : i32 to index
          %parallel_loop3A_251 = arith.index_cast %parallel_loop3A_239 : i32 to index
          %parallel_loop3A_252 = tpu.vector_load %arg5[%parallel_loop3A_250, %parallel_loop3A_251] {strides = array<i32>} : memref<128x128xf32, #tpu.memory_space<vmem>>, vector<1x16xf32>,
          %parallel_loop3A_253 = vector.shape_cast %parallel_loop3A_252 : vector<1x16xf32> to vector<16xf32>
          %parallel_loop3A_254 = vector.shape_cast %parallel_loop3A_249 : vector<16xf32> to vector<1x16xf32>
          tpu.vector_store %arg5[%parallel_loop3A_250, %parallel_loop3A_251], %parallel_loop3A_254 {add = true, strides = array<i32>} : memref<128x128xf32, #tpu.memory_space<vmem>>, vector<1x16xf32>,
          %parallel_loop3A_255 = vector.extract_strided_slice %parallel_loop3A_93 {offsets = [7], sizes = [1], strides = [1]} : vector<16xi32> to vector<1xi32>
          %parallel_loop3A_256 = vector.extract %parallel_loop3A_255[0] : i32 from vector<1xi32>
          %parallel_loop3A_257 = arith.constant 3 : i32
          %parallel_loop3A_258 = arith.shrsi %parallel_loop3A_256, %parallel_loop3A_257 : i32
          %parallel_loop3A_259 = arith.constant 7 : i32
          %parallel_loop3A_260 = arith.andi %parallel_loop3A_256, %parallel_loop3A_259 : i32
          %parallel_loop3A_261 = arith.constant 16 : i32
          %parallel_loop3A_262 = arith.muli %parallel_loop3A_260, %parallel_loop3A_261 : i32
          %parallel_loop3A_263 = arith.constant 2 : i32
          %parallel_loop3A_264 = arith.muli %parallel_loop3A_85, %parallel_loop3A_263 : i32
          %parallel_loop3A_265 = arith.constant 0 : i32
          %parallel_loop3A_266 = arith.addi %parallel_loop3A_264, %parallel_loop3A_265 : i32
          %parallel_loop3A_267 = arith.constant 1 : i32
          %parallel_loop3A_268 = arith.index_cast %parallel_loop3A_267 : i32 to index
          %parallel_loop3A_269 = arith.index_cast %parallel_loop3A_266 : i32 to index
          %parallel_loop3A_270 = arith.constant 112 : index
          %parallel_loop3A_271 = tpu.vector_load %arg7[%parallel_loop3A_268, %parallel_loop3A_269, %parallel_loop3A_270] {strides = array<i32>} : memref<2x128x128xf32, #tpu.memory_space<vmem>>, vector<1x1x16xf32>,
          %parallel_loop3A_272 = vector.shape_cast %parallel_loop3A_271 : vector<1x1x16xf32> to vector<16xf32>
          %parallel_loop3A_273 = arith.index_cast %parallel_loop3A_258 : i32 to index
          %parallel_loop3A_274 = arith.index_cast %parallel_loop3A_262 : i32 to index
          %parallel_loop3A_275 = tpu.vector_load %arg5[%parallel_loop3A_273, %parallel_loop3A_274] {strides = array<i32>} : memref<128x128xf32, #tpu.memory_space<vmem>>, vector<1x16xf32>,
          %parallel_loop3A_276 = vector.shape_cast %parallel_loop3A_275 : vector<1x16xf32> to vector<16xf32>
          %parallel_loop3A_277 = vector.shape_cast %parallel_loop3A_272 : vector<16xf32> to vector<1x16xf32>
          tpu.vector_store %arg5[%parallel_loop3A_273, %parallel_loop3A_274], %parallel_loop3A_277 {add = true, strides = array<i32>} : memref<128x128xf32, #tpu.memory_space<vmem>>, vector<1x16xf32>,
          %parallel_loop3A_278 = vector.extract_strided_slice %parallel_loop3A_93 {offsets = [8], sizes = [1], strides = [1]} : vector<16xi32> to vector<1xi32>
          %parallel_loop3A_279 = vector.extract %parallel_loop3A_278[0] : i32 from vector<1xi32>
          %parallel_loop3A_280 = arith.constant 3 : i32
          %parallel_loop3A_281 = arith.shrsi %parallel_loop3A_279, %parallel_loop3A_280 : i32
          %parallel_loop3A_282 = arith.constant 7 : i32
          %parallel_loop3A_283 = arith.andi %parallel_loop3A_279, %parallel_loop3A_282 : i32
          %parallel_loop3A_284 = arith.constant 16 : i32
          %parallel_loop3A_285 = arith.muli %parallel_loop3A_283, %parallel_loop3A_284 : i32
          %parallel_loop3A_286 = arith.constant 2 : i32
          %parallel_loop3A_287 = arith.muli %parallel_loop3A_85, %parallel_loop3A_286 : i32
          %parallel_loop3A_288 = arith.constant 1 : i32
          %parallel_loop3A_289 = arith.addi %parallel_loop3A_287, %parallel_loop3A_288 : i32
          %parallel_loop3A_290 = arith.constant 1 : i32
          %parallel_loop3A_291 = arith.index_cast %parallel_loop3A_290 : i32 to index
          %parallel_loop3A_292 = arith.index_cast %parallel_loop3A_289 : i32 to index
          %parallel_loop3A_293 = arith.constant 0 : index
          %parallel_loop3A_294 = tpu.vector_load %arg7[%parallel_loop3A_291, %parallel_loop3A_292, %parallel_loop3A_293] {strides = array<i32>} : memref<2x128x128xf32, #tpu.memory_space<vmem>>, vector<1x1x16xf32>,
          %parallel_loop3A_295 = vector.shape_cast %parallel_loop3A_294 : vector<1x1x16xf32> to vector<16xf32>
          %parallel_loop3A_296 = arith.index_cast %parallel_loop3A_281 : i32 to index
          %parallel_loop3A_297 = arith.index_cast %parallel_loop3A_285 : i32 to index
          %parallel_loop3A_298 = tpu.vector_load %arg5[%parallel_loop3A_296, %parallel_loop3A_297] {strides = array<i32>} : memref<128x128xf32, #tpu.memory_space<vmem>>, vector<1x16xf32>,
          %parallel_loop3A_299 = vector.shape_cast %parallel_loop3A_298 : vector<1x16xf32> to vector<16xf32>
          %parallel_loop3A_300 = vector.shape_cast %parallel_loop3A_295 : vector<16xf32> to vector<1x16xf32>
          tpu.vector_store %arg5[%parallel_loop3A_296, %parallel_loop3A_297], %parallel_loop3A_300 {add = true, strides = array<i32>} : memref<128x128xf32, #tpu.memory_space<vmem>>, vector<1x16xf32>,
          %parallel_loop3A_301 = vector.extract_strided_slice %parallel_loop3A_93 {offsets = [9], sizes = [1], strides = [1]} : vector<16xi32> to vector<1xi32>
          %parallel_loop3A_302 = vector.extract %parallel_loop3A_301[0] : i32 from vector<1xi32>
          %parallel_loop3A_303 = arith.constant 3 : i32
          %parallel_loop3A_304 = arith.shrsi %parallel_loop3A_302, %parallel_loop3A_303 : i32
          %parallel_loop3A_305 = arith.constant 7 : i32
          %parallel_loop3A_306 = arith.andi %parallel_loop3A_302, %parallel_loop3A_305 : i32
          %parallel_loop3A_307 = arith.constant 16 : i32
          %parallel_loop3A_308 = arith.muli %parallel_loop3A_306, %parallel_loop3A_307 : i32
          %parallel_loop3A_309 = arith.constant 2 : i32
          %parallel_loop3A_310 = arith.muli %parallel_loop3A_85, %parallel_loop3A_309 : i32
          %parallel_loop3A_311 = arith.constant 1 : i32
          %parallel_loop3A_312 = arith.addi %parallel_loop3A_310, %parallel_loop3A_311 : i32
          %parallel_loop3A_313 = arith.constant 1 : i32
          %parallel_loop3A_314 = arith.index_cast %parallel_loop3A_313 : i32 to index
          %parallel_loop3A_315 = arith.index_cast %parallel_loop3A_312 : i32 to index
          %parallel_loop3A_316 = arith.constant 16 : index
          %parallel_loop3A_317 = tpu.vector_load %arg7[%parallel_loop3A_314, %parallel_loop3A_315, %parallel_loop3A_316] {strides = array<i32>} : memref<2x128x128xf32, #tpu.memory_space<vmem>>, vector<1x1x16xf32>,
          %parallel_loop3A_318 = vector.shape_cast %parallel_loop3A_317 : vector<1x1x16xf32> to vector<16xf32>
          %parallel_loop3A_319 = arith.index_cast %parallel_loop3A_304 : i32 to index
          %parallel_loop3A_320 = arith.index_cast %parallel_loop3A_308 : i32 to index
          %parallel_loop3A_321 = tpu.vector_load %arg5[%parallel_loop3A_319, %parallel_loop3A_320] {strides = array<i32>} : memref<128x128xf32, #tpu.memory_space<vmem>>, vector<1x16xf32>,
          %parallel_loop3A_322 = vector.shape_cast %parallel_loop3A_321 : vector<1x16xf32> to vector<16xf32>
          %parallel_loop3A_323 = vector.shape_cast %parallel_loop3A_318 : vector<16xf32> to vector<1x16xf32>
          tpu.vector_store %arg5[%parallel_loop3A_319, %parallel_loop3A_320], %parallel_loop3A_323 {add = true, strides = array<i32>} : memref<128x128xf32, #tpu.memory_space<vmem>>, vector<1x16xf32>,
          %parallel_loop3A_324 = vector.extract_strided_slice %parallel_loop3A_93 {offsets = [10], sizes = [1], strides = [1]} : vector<16xi32> to vector<1xi32>
          %parallel_loop3A_325 = vector.extract %parallel_loop3A_324[0] : i32 from vector<1xi32>
          %parallel_loop3A_326 = arith.constant 3 : i32
          %parallel_loop3A_327 = arith.shrsi %parallel_loop3A_325, %parallel_loop3A_326 : i32
          %parallel_loop3A_328 = arith.constant 7 : i32
          %parallel_loop3A_329 = arith.andi %parallel_loop3A_325, %parallel_loop3A_328 : i32
          %parallel_loop3A_330 = arith.constant 16 : i32
          %parallel_loop3A_331 = arith.muli %parallel_loop3A_329, %parallel_loop3A_330 : i32
          %parallel_loop3A_332 = arith.constant 2 : i32
          %parallel_loop3A_333 = arith.muli %parallel_loop3A_85, %parallel_loop3A_332 : i32
          %parallel_loop3A_334 = arith.constant 1 : i32
          %parallel_loop3A_335 = arith.addi %parallel_loop3A_333, %parallel_loop3A_334 : i32
          %parallel_loop3A_336 = arith.constant 1 : i32
          %parallel_loop3A_337 = arith.index_cast %parallel_loop3A_336 : i32 to index
          %parallel_loop3A_338 = arith.index_cast %parallel_loop3A_335 : i32 to index
          %parallel_loop3A_339 = arith.constant 32 : index
          %parallel_loop3A_340 = tpu.vector_load %arg7[%parallel_loop3A_337, %parallel_loop3A_338, %parallel_loop3A_339] {strides = array<i32>} : memref<2x128x128xf32, #tpu.memory_space<vmem>>, vector<1x1x16xf32>,
          %parallel_loop3A_341 = vector.shape_cast %parallel_loop3A_340 : vector<1x1x16xf32> to vector<16xf32>
          %parallel_loop3A_342 = arith.index_cast %parallel_loop3A_327 : i32 to index
          %parallel_loop3A_343 = arith.index_cast %parallel_loop3A_331 : i32 to index
          %parallel_loop3A_344 = tpu.vector_load %arg5[%parallel_loop3A_342, %parallel_loop3A_343] {strides = array<i32>} : memref<128x128xf32, #tpu.memory_space<vmem>>, vector<1x16xf32>,
          %parallel_loop3A_345 = vector.shape_cast %parallel_loop3A_344 : vector<1x16xf32> to vector<16xf32>
          %parallel_loop3A_346 = vector.shape_cast %parallel_loop3A_341 : vector<16xf32> to vector<1x16xf32>
          tpu.vector_store %arg5[%parallel_loop3A_342, %parallel_loop3A_343], %parallel_loop3A_346 {add = true, strides = array<i32>} : memref<128x128xf32, #tpu.memory_space<vmem>>, vector<1x16xf32>,
          %parallel_loop3A_347 = vector.extract_strided_slice %parallel_loop3A_93 {offsets = [11], sizes = [1], strides = [1]} : vector<16xi32> to vector<1xi32>
          %parallel_loop3A_348 = vector.extract %parallel_loop3A_347[0] : i32 from vector<1xi32>
          %parallel_loop3A_349 = arith.constant 3 : i32
          %parallel_loop3A_350 = arith.shrsi %parallel_loop3A_348, %parallel_loop3A_349 : i32
          %parallel_loop3A_351 = arith.constant 7 : i32
          %parallel_loop3A_352 = arith.andi %parallel_loop3A_348, %parallel_loop3A_351 : i32
          %parallel_loop3A_353 = arith.constant 16 : i32
          %parallel_loop3A_354 = arith.muli %parallel_loop3A_352, %parallel_loop3A_353 : i32
          %parallel_loop3A_355 = arith.constant 2 : i32
          %parallel_loop3A_356 = arith.muli %parallel_loop3A_85, %parallel_loop3A_355 : i32
          %parallel_loop3A_357 = arith.constant 1 : i32
          %parallel_loop3A_358 = arith.addi %parallel_loop3A_356, %parallel_loop3A_357 : i32
          %parallel_loop3A_359 = arith.constant 1 : i32
          %parallel_loop3A_360 = arith.index_cast %parallel_loop3A_359 : i32 to index
          %parallel_loop3A_361 = arith.index_cast %parallel_loop3A_358 : i32 to index
          %parallel_loop3A_362 = arith.constant 48 : index
          %parallel_loop3A_363 = tpu.vector_load %arg7[%parallel_loop3A_360, %parallel_loop3A_361, %parallel_loop3A_362] {strides = array<i32>} : memref<2x128x128xf32, #tpu.memory_space<vmem>>, vector<1x1x16xf32>,
          %parallel_loop3A_364 = vector.shape_cast %parallel_loop3A_363 : vector<1x1x16xf32> to vector<16xf32>
          %parallel_loop3A_365 = arith.index_cast %parallel_loop3A_350 : i32 to index
          %parallel_loop3A_366 = arith.index_cast %parallel_loop3A_354 : i32 to index
          %parallel_loop3A_367 = tpu.vector_load %arg5[%parallel_loop3A_365, %parallel_loop3A_366] {strides = array<i32>} : memref<128x128xf32, #tpu.memory_space<vmem>>, vector<1x16xf32>,
          %parallel_loop3A_368 = vector.shape_cast %parallel_loop3A_367 : vector<1x16xf32> to vector<16xf32>
          %parallel_loop3A_369 = vector.shape_cast %parallel_loop3A_364 : vector<16xf32> to vector<1x16xf32>
          tpu.vector_store %arg5[%parallel_loop3A_365, %parallel_loop3A_366], %parallel_loop3A_369 {add = true, strides = array<i32>} : memref<128x128xf32, #tpu.memory_space<vmem>>, vector<1x16xf32>,
          %parallel_loop3A_370 = vector.extract_strided_slice %parallel_loop3A_93 {offsets = [12], sizes = [1], strides = [1]} : vector<16xi32> to vector<1xi32>
          %parallel_loop3A_371 = vector.extract %parallel_loop3A_370[0] : i32 from vector<1xi32>
          %parallel_loop3A_372 = arith.constant 3 : i32
          %parallel_loop3A_373 = arith.shrsi %parallel_loop3A_371, %parallel_loop3A_372 : i32
          %parallel_loop3A_374 = arith.constant 7 : i32
          %parallel_loop3A_375 = arith.andi %parallel_loop3A_371, %parallel_loop3A_374 : i32
          %parallel_loop3A_376 = arith.constant 16 : i32
          %parallel_loop3A_377 = arith.muli %parallel_loop3A_375, %parallel_loop3A_376 : i32
          %parallel_loop3A_378 = arith.constant 2 : i32
          %parallel_loop3A_379 = arith.muli %parallel_loop3A_85, %parallel_loop3A_378 : i32
          %parallel_loop3A_380 = arith.constant 1 : i32
          %parallel_loop3A_381 = arith.addi %parallel_loop3A_379, %parallel_loop3A_380 : i32
          %parallel_loop3A_382 = arith.constant 1 : i32
          %parallel_loop3A_383 = arith.index_cast %parallel_loop3A_382 : i32 to index
          %parallel_loop3A_384 = arith.index_cast %parallel_loop3A_381 : i32 to index
          %parallel_loop3A_385 = arith.constant 64 : index
          %parallel_loop3A_386 = tpu.vector_load %arg7[%parallel_loop3A_383, %parallel_loop3A_384, %parallel_loop3A_385] {strides = array<i32>} : memref<2x128x128xf32, #tpu.memory_space<vmem>>, vector<1x1x16xf32>,
          %parallel_loop3A_387 = vector.shape_cast %parallel_loop3A_386 : vector<1x1x16xf32> to vector<16xf32>
          %parallel_loop3A_388 = arith.index_cast %parallel_loop3A_373 : i32 to index
          %parallel_loop3A_389 = arith.index_cast %parallel_loop3A_377 : i32 to index
          %parallel_loop3A_390 = tpu.vector_load %arg5[%parallel_loop3A_388, %parallel_loop3A_389] {strides = array<i32>} : memref<128x128xf32, #tpu.memory_space<vmem>>, vector<1x16xf32>,
          %parallel_loop3A_391 = vector.shape_cast %parallel_loop3A_390 : vector<1x16xf32> to vector<16xf32>
          %parallel_loop3A_392 = vector.shape_cast %parallel_loop3A_387 : vector<16xf32> to vector<1x16xf32>
          tpu.vector_store %arg5[%parallel_loop3A_388, %parallel_loop3A_389], %parallel_loop3A_392 {add = true, strides = array<i32>} : memref<128x128xf32, #tpu.memory_space<vmem>>, vector<1x16xf32>,
          %parallel_loop3A_393 = vector.extract_strided_slice %parallel_loop3A_93 {offsets = [13], sizes = [1], strides = [1]} : vector<16xi32> to vector<1xi32>
          %parallel_loop3A_394 = vector.extract %parallel_loop3A_393[0] : i32 from vector<1xi32>
          %parallel_loop3A_395 = arith.constant 3 : i32
          %parallel_loop3A_396 = arith.shrsi %parallel_loop3A_394, %parallel_loop3A_395 : i32
          %parallel_loop3A_397 = arith.constant 7 : i32
          %parallel_loop3A_398 = arith.andi %parallel_loop3A_394, %parallel_loop3A_397 : i32
          %parallel_loop3A_399 = arith.constant 16 : i32
          %parallel_loop3A_400 = arith.muli %parallel_loop3A_398, %parallel_loop3A_399 : i32
          %parallel_loop3A_401 = arith.constant 2 : i32
          %parallel_loop3A_402 = arith.muli %parallel_loop3A_85, %parallel_loop3A_401 : i32
          %parallel_loop3A_403 = arith.constant 1 : i32
          %parallel_loop3A_404 = arith.addi %parallel_loop3A_402, %parallel_loop3A_403 : i32
          %parallel_loop3A_405 = arith.constant 1 : i32
          %parallel_loop3A_406 = arith.index_cast %parallel_loop3A_405 : i32 to index
          %parallel_loop3A_407 = arith.index_cast %parallel_loop3A_404 : i32 to index
          %parallel_loop3A_408 = arith.constant 80 : index
          %parallel_loop3A_409 = tpu.vector_load %arg7[%parallel_loop3A_406, %parallel_loop3A_407, %parallel_loop3A_408] {strides = array<i32>} : memref<2x128x128xf32, #tpu.memory_space<vmem>>, vector<1x1x16xf32>,
          %parallel_loop3A_410 = vector.shape_cast %parallel_loop3A_409 : vector<1x1x16xf32> to vector<16xf32>
          %parallel_loop3A_411 = arith.index_cast %parallel_loop3A_396 : i32 to index
          %parallel_loop3A_412 = arith.index_cast %parallel_loop3A_400 : i32 to index
          %parallel_loop3A_413 = tpu.vector_load %arg5[%parallel_loop3A_411, %parallel_loop3A_412] {strides = array<i32>} : memref<128x128xf32, #tpu.memory_space<vmem>>, vector<1x16xf32>,
          %parallel_loop3A_414 = vector.shape_cast %parallel_loop3A_413 : vector<1x16xf32> to vector<16xf32>
          %parallel_loop3A_415 = vector.shape_cast %parallel_loop3A_410 : vector<16xf32> to vector<1x16xf32>
          tpu.vector_store %arg5[%parallel_loop3A_411, %parallel_loop3A_412], %parallel_loop3A_415 {add = true, strides = array<i32>} : memref<128x128xf32, #tpu.memory_space<vmem>>, vector<1x16xf32>,
          %parallel_loop3A_416 = vector.extract_strided_slice %parallel_loop3A_93 {offsets = [14], sizes = [1], strides = [1]} : vector<16xi32> to vector<1xi32>
          %parallel_loop3A_417 = vector.extract %parallel_loop3A_416[0] : i32 from vector<1xi32>
          %parallel_loop3A_418 = arith.constant 3 : i32
          %parallel_loop3A_419 = arith.shrsi %parallel_loop3A_417, %parallel_loop3A_418 : i32
          %parallel_loop3A_420 = arith.constant 7 : i32
          %parallel_loop3A_421 = arith.andi %parallel_loop3A_417, %parallel_loop3A_420 : i32
          %parallel_loop3A_422 = arith.constant 16 : i32
          %parallel_loop3A_423 = arith.muli %parallel_loop3A_421, %parallel_loop3A_422 : i32
          %parallel_loop3A_424 = arith.constant 2 : i32
          %parallel_loop3A_425 = arith.muli %parallel_loop3A_85, %parallel_loop3A_424 : i32
          %parallel_loop3A_426 = arith.constant 1 : i32
          %parallel_loop3A_427 = arith.addi %parallel_loop3A_425, %parallel_loop3A_426 : i32
          %parallel_loop3A_428 = arith.constant 1 : i32
          %parallel_loop3A_429 = arith.index_cast %parallel_loop3A_428 : i32 to index
          %parallel_loop3A_430 = arith.index_cast %parallel_loop3A_427 : i32 to index
          %parallel_loop3A_431 = arith.constant 96 : index
          %parallel_loop3A_432 = tpu.vector_load %arg7[%parallel_loop3A_429, %parallel_loop3A_430, %parallel_loop3A_431] {strides = array<i32>} : memref<2x128x128xf32, #tpu.memory_space<vmem>>, vector<1x1x16xf32>,
          %parallel_loop3A_433 = vector.shape_cast %parallel_loop3A_432 : vector<1x1x16xf32> to vector<16xf32>
          %parallel_loop3A_434 = arith.index_cast %parallel_loop3A_419 : i32 to index
          %parallel_loop3A_435 = arith.index_cast %parallel_loop3A_423 : i32 to index
          %parallel_loop3A_436 = tpu.vector_load %arg5[%parallel_loop3A_434, %parallel_loop3A_435] {strides = array<i32>} : memref<128x128xf32, #tpu.memory_space<vmem>>, vector<1x16xf32>,
          %parallel_loop3A_437 = vector.shape_cast %parallel_loop3A_436 : vector<1x16xf32> to vector<16xf32>
          %parallel_loop3A_438 = vector.shape_cast %parallel_loop3A_433 : vector<16xf32> to vector<1x16xf32>
          tpu.vector_store %arg5[%parallel_loop3A_434, %parallel_loop3A_435], %parallel_loop3A_438 {add = true, strides = array<i32>} : memref<128x128xf32, #tpu.memory_space<vmem>>, vector<1x16xf32>,
          %parallel_loop3A_439 = vector.extract_strided_slice %parallel_loop3A_93 {offsets = [15], sizes = [1], strides = [1]} : vector<16xi32> to vector<1xi32>
          %parallel_loop3A_440 = vector.extract %parallel_loop3A_439[0] : i32 from vector<1xi32>
          %parallel_loop3A_441 = arith.constant 3 : i32
          %parallel_loop3A_442 = arith.shrsi %parallel_loop3A_440, %parallel_loop3A_441 : i32
          %parallel_loop3A_443 = arith.constant 7 : i32
          %parallel_loop3A_444 = arith.andi %parallel_loop3A_440, %parallel_loop3A_443 : i32
          %parallel_loop3A_445 = arith.constant 16 : i32
          %parallel_loop3A_446 = arith.muli %parallel_loop3A_444, %parallel_loop3A_445 : i32
          %parallel_loop3A_447 = arith.constant 2 : i32
          %parallel_loop3A_448 = arith.muli %parallel_loop3A_85, %parallel_loop3A_447 : i32
          %parallel_loop3A_449 = arith.constant 1 : i32
          %parallel_loop3A_450 = arith.addi %parallel_loop3A_448, %parallel_loop3A_449 : i32
          %parallel_loop3A_451 = arith.constant 1 : i32
          %parallel_loop3A_452 = arith.index_cast %parallel_loop3A_451 : i32 to index
          %parallel_loop3A_453 = arith.index_cast %parallel_loop3A_450 : i32 to index
          %parallel_loop3A_454 = arith.constant 112 : index
          %parallel_loop3A_455 = tpu.vector_load %arg7[%parallel_loop3A_452, %parallel_loop3A_453, %parallel_loop3A_454] {strides = array<i32>} : memref<2x128x128xf32, #tpu.memory_space<vmem>>, vector<1x1x16xf32>,
          %parallel_loop3A_456 = vector.shape_cast %parallel_loop3A_455 : vector<1x1x16xf32> to vector<16xf32>
          %parallel_loop3A_457 = arith.index_cast %parallel_loop3A_442 : i32 to index
          %parallel_loop3A_458 = arith.index_cast %parallel_loop3A_446 : i32 to index
          %parallel_loop3A_459 = tpu.vector_load %arg5[%parallel_loop3A_457, %parallel_loop3A_458] {strides = array<i32>} : memref<128x128xf32, #tpu.memory_space<vmem>>, vector<1x16xf32>,
          %parallel_loop3A_460 = vector.shape_cast %parallel_loop3A_459 : vector<1x16xf32> to vector<16xf32>
          %parallel_loop3A_461 = vector.shape_cast %parallel_loop3A_456 : vector<16xf32> to vector<1x16xf32>
          tpu.vector_store %arg5[%parallel_loop3A_457, %parallel_loop3A_458], %parallel_loop3A_461 {add = true, strides = array<i32>} : memref<128x128xf32, #tpu.memory_space<vmem>>, vector<1x16xf32>,
        } {sc.loop_unroll_factor = 2 : i64, sc.parallel_access}
      } else {
      }
      %add3A_73 = arith.constant 2 : i32
      %add3A_74 = arith.addi %mul3A_44, %add3A_73 : i32
      %lt3A_75 = arith.constant 32 : i32
      %lt3A_76 = arith.cmpi slt, %add3A_74, %lt3A_75 : i32
      %convert_element_type3A_77 = arith.extui %lt3A_76 : i1 to i32
      %cond3A_78 = arith.constant 0 : i32
      %cond3A_79 = arith.cmpi ne, %convert_element_type3A_77, %cond3A_78 : i32
      scf.if %cond3A_79 {
        %dma_wait3A_80 = arith.constant 0 : i32
        %dma_wait3A_81 = arith.constant 0 : i32
        %dma_wait3A_82 = arith.constant 0 : i32
        %dma_wait3A_83 = tpu.memref_slice %arg7[%dma_wait3A_80, %dma_wait3A_81, %dma_wait3A_82] : memref<2x128x128xf32, #tpu.memory_space<vmem>> -> memref<1x128x128xf32, #tpu.memory_space<vmem>>
        %dma_wait3A_84 = tpu.memref_squeeze %dma_wait3A_83 : memref<1x128x128xf32, #tpu.memory_space<vmem>> -> memref<128x128xf32, #tpu.memory_space<vmem>>
        %dma_wait3A_85 = arith.constant 0 : i32
        %dma_wait3A_86 = arith.constant 0 : i32
        %dma_wait3A_87 = tpu.memref_slice %arg2[%arg1, %dma_wait3A_85, %dma_wait3A_86] : memref<16x8192x128xf32, #tpu.memory_space<hbm>> -> memref<1x128x128xf32, #tpu.memory_space<hbm>>
        %dma_wait3A_88 = tpu.memref_squeeze %dma_wait3A_87 : memref<1x128x128xf32, #tpu.memory_space<hbm>> -> memref<128x128xf32, #tpu.memory_space<hbm>>
        %dma_wait3A_89 = arith.constant 0 : i32
        %dma_wait3A_90 = arith.constant 0 : i32
        %dma_wait3A_91 = tpu.memref_slice %arg7[%dma_wait3A_80, %dma_wait3A_89, %dma_wait3A_90] : memref<2x128x128xf32, #tpu.memory_space<vmem>> -> memref<1x128x128xf32, #tpu.memory_space<vmem>>
        %dma_wait3A_92 = tpu.memref_squeeze %dma_wait3A_91 : memref<1x128x128xf32, #tpu.memory_space<vmem>> -> memref<128x128xf32, #tpu.memory_space<vmem>>
        %dma_wait3A_93 = arith.constant 0 : i32
        %dma_wait3A_94 = arith.constant 0 : i32
        %dma_wait3A_95 = tpu.memref_slice %arg2[%arg1, %dma_wait3A_93, %dma_wait3A_94] : memref<16x8192x128xf32, #tpu.memory_space<hbm>> -> memref<1x128x128xf32, #tpu.memory_space<hbm>>
        %dma_wait3A_96 = tpu.memref_squeeze %dma_wait3A_95 : memref<1x128x128xf32, #tpu.memory_space<hbm>> -> memref<128x128xf32, #tpu.memory_space<hbm>>
        tpu.wait_dma2 semaphore(%arg8 : memref<!tpu.dma_semaphore, #tpu.memory_space<semaphore_mem>>) src(%dma_wait3A_96 : memref<128x128xf32, #tpu.memory_space<hbm>>) dst(%dma_wait3A_92 : memref<128x128xf32, #tpu.memory_space<vmem>>)
      } else {
      }
    }
    %scan3A_37 = arith.constant 16 : i32
    "tpu.region"() ({
      %run_scoped3A = tpu.sem_alloc : memref<!tpu.dma_semaphore, #tpu.memory_space<semaphore_mem>>
      %dma_start3A_38 = arith.constant 0 : i32
      %dma_start3A_39 = arith.constant 0 : i32
      %dma_start3A_40 = tpu.memref_slice %arg4[%arg0, %arg1, %dma_start3A_38, %dma_start3A_39] : memref<2x16x128x128xf32, #tpu.memory_space<hbm>> -> memref<1x1x128x128xf32, #tpu.memory_space<hbm>>
      %dma_start3A_41 = tpu.memref_squeeze %dma_start3A_40 : memref<1x1x128x128xf32, #tpu.memory_space<hbm>> -> memref<128x128xf32, #tpu.memory_space<hbm>>
      %dma_start3A_42 = arith.constant 0 : i32
      %dma_start3A_43 = arith.constant 0 : i32
      %dma_start3A_44 = tpu.memref_slice %arg4[%arg0, %arg1, %dma_start3A_42, %dma_start3A_43] : memref<2x16x128x128xf32, #tpu.memory_space<hbm>> -> memref<1x1x128x128xf32, #tpu.memory_space<hbm>>
      %dma_start3A_45 = tpu.memref_squeeze %dma_start3A_44 : memref<1x1x128x128xf32, #tpu.memory_space<hbm>> -> memref<128x128xf32, #tpu.memory_space<hbm>>
      tpu.enqueue_dma source(%arg5 : memref<128x128xf32, #tpu.memory_space<vmem>>) target(%dma_start3A_45 : memref<128x128xf32, #tpu.memory_space<hbm>>) target_semaphore(%run_scoped3A : memref<!tpu.dma_semaphore, #tpu.memory_space<semaphore_mem>>)
      %dma_wait3A_46 = arith.constant 0 : i32
      %dma_wait3A_47 = arith.constant 0 : i32
      %dma_wait3A_48 = tpu.memref_slice %arg4[%arg0, %arg1, %dma_wait3A_46, %dma_wait3A_47] : memref<2x16x128x128xf32, #tpu.memory_space<hbm>> -> memref<1x1x128x128xf32, #tpu.memory_space<hbm>>
      %dma_wait3A_49 = tpu.memref_squeeze %dma_wait3A_48 : memref<1x1x128x128xf32, #tpu.memory_space<hbm>> -> memref<128x128xf32, #tpu.memory_space<hbm>>
      %dma_wait3A_50 = arith.constant 0 : i32
      %dma_wait3A_51 = arith.constant 0 : i32
      %dma_wait3A_52 = tpu.memref_slice %arg4[%arg0, %arg1, %dma_wait3A_50, %dma_wait3A_51] : memref<2x16x128x128xf32, #tpu.memory_space<hbm>> -> memref<1x1x128x128xf32, #tpu.memory_space<hbm>>
      %dma_wait3A_53 = tpu.memref_squeeze %dma_wait3A_52 : memref<1x1x128x128xf32, #tpu.memory_space<hbm>> -> memref<128x128xf32, #tpu.memory_space<hbm>>
      tpu.wait_dma2 semaphore(%run_scoped3A : memref<!tpu.dma_semaphore, #tpu.memory_space<semaphore_mem>>) src(%arg5 : memref<128x128xf32, #tpu.memory_space<vmem>>) dst(%dma_wait3A_53 : memref<128x128xf32, #tpu.memory_space<hbm>>)
      tpu.yield
    }) : () -> ()
    return
  }
}

module attributes {stable_mosaic.version = 14 : i64} {
  func.func @_argmin_body(%arg0: i32, %arg1: memref<512x256xf32, #tpu.memory_space<vmem>>, %arg2: memref<1024x256xf32, #tpu.memory_space<vmem>>, %arg3: memref<512xi32, #tpu.memory_space<vmem>>, %arg4: memref<1024x8xf32, #tpu.memory_space<vmem>>, %arg5: memref<16x64x128xf32, #tpu.memory_space<vmem>>, %arg6: memref<1024x8xf32, #tpu.memory_space<vmem>>) attributes {dimension_semantics = [#tpu.dimension_semantics<arbitrary>], iteration_bounds = array<i64: 128>, scalar_prefetch = 0 : i64, scratch_operands = 1 : i64, tpu.core_type = #tpu.core_type<tc>, window_params = [{transform_indices = @transform_0, window_bounds = array<i64: 512, 256>}, {pipeline_mode = #tpu.pipeline_mode<synchronous>, transform_indices = @transform_1, window_bounds = array<i64: 1024, 256>}, {transform_indices = @transform_2, window_bounds = array<i64: 512>}, {pipeline_mode = #tpu.pipeline_mode<synchronous>, transform_indices = @transform_3, window_bounds = array<i64: 1024, 8>}, {transform_indices = @transform_4, window_bounds = array<i64: 16, 64, 128>}]} {
    %eq3A = arith.constant 0 : i32
    %eq3A_0 = arith.cmpi eq, %arg0, %eq3A : i32
    %convert_element_type3A = arith.extui %eq3A_0 : i1 to i32
    %cond3A = arith.constant 0 : i32
    %cond3A_1 = arith.cmpi ne, %convert_element_type3A, %cond3A : i32
    scf.if %cond3A_1 {
      %get3A_40 = arith.constant 0 : index
      %get3A_41 = arith.constant 0 : index
      %get3A_42 = vector.load %arg2[%get3A_40, %get3A_41] : memref<1024x256xf32, #tpu.memory_space<vmem>>, vector<1024x256xf32>
      %mul3A_43 = arith.mulf %get3A_42, %get3A_42 : vector<1024x256xf32>
      %reduce_sum3A_44 = arith.constant dense<0.000000e+00> : vector<1024xf32>
      %reduce_sum3A_45 = vector.multi_reduction <add>, %mul3A_43, %reduce_sum3A_44 [1] : vector<1024x256xf32> to vector<1024xf32>
      %broadcast_in_dim3A_46 = vector.shape_cast %reduce_sum3A_45 : vector<1024xf32> to vector<1024x1xf32>
      %broadcast_in_dim3A_47 = vector.shape_cast %broadcast_in_dim3A_46 : vector<1024x1xf32> to vector<1024x1xf32>
      %broadcast_in_dim3A_48 = vector.broadcast %broadcast_in_dim3A_47 : vector<1024x1xf32> to vector<1024x8xf32>
      %swap3A_49 = arith.constant 0 : index
      %swap3A_50 = arith.constant 0 : index
      %swap3A_51 = vector.load %arg6[%swap3A_49, %swap3A_50] : memref<1024x8xf32, #tpu.memory_space<vmem>>, vector<1024x8xf32>
      tpu.vector_store %arg6[%swap3A_49, %swap3A_50], %broadcast_in_dim3A_48 {strides = array<i32>} : memref<1024x8xf32, #tpu.memory_space<vmem>>, vector<1024x8xf32>,
      %broadcast_in_dim3A_52 = arith.constant 0.000000e+00 : f32
      %broadcast_in_dim3A_53 = vector.broadcast %broadcast_in_dim3A_52 : f32 to vector<1024x8xf32>
      %swap3A_54 = arith.constant 0 : index
      %swap3A_55 = arith.constant 0 : index
      %swap3A_56 = vector.load %arg4[%swap3A_54, %swap3A_55] : memref<1024x8xf32, #tpu.memory_space<vmem>>, vector<1024x8xf32>
      tpu.vector_store %arg4[%swap3A_54, %swap3A_55], %broadcast_in_dim3A_53 {strides = array<i32>} : memref<1024x8xf32, #tpu.memory_space<vmem>>, vector<1024x8xf32>,
    } else {
    }
    %get3A = arith.constant 0 : index
    %get3A_2 = arith.constant 0 : index
    %get3A_3 = vector.load %arg1[%get3A, %get3A_2] : memref<512x256xf32, #tpu.memory_space<vmem>>, vector<512x256xf32>
    %get3A_4 = arith.constant 0 : index
    %get3A_5 = arith.constant 0 : index
    %get3A_6 = vector.load %arg2[%get3A_4, %get3A_5] : memref<1024x256xf32, #tpu.memory_space<vmem>>, vector<1024x256xf32>
    %dot_general3A = arith.constant dense<0.000000e+00> : vector<1024x512xf32>
    %dot_general3A_7 = tpu.matmul %get3A_6, %get3A_3, %dot_general3A {dimension_numbers = #tpu.dot_dimension_numbers<[1], [1], [0], [0], [0, 0, 1, 0], [], []>, transpose_lhs_hint = false} : vector<1024x256xf32>, vector<512x256xf32>, vector<1024x512xf32> -> vector<1024x512xf32>
    %get3A_8 = arith.constant 0 : index
    %get3A_9 = arith.constant 0 : index
    %get3A_10 = vector.load %arg6[%get3A_8, %get3A_9] : memref<1024x8xf32, #tpu.memory_space<vmem>>, vector<1024x1xf32>
    %mul3A = arith.constant 5.000000e-01 : f32
    %mul3A_11 = vector.broadcast %mul3A : f32 to vector<1024x1xf32>
    %mul3A_12 = arith.mulf %mul3A_11, %get3A_10 : vector<1024x1xf32>
    %sub3A = vector.broadcast %mul3A_12 : vector<1024x1xf32> to vector<1024x512xf32>
    %sub3A_13 = arith.subf %dot_general3A_7, %sub3A : vector<1024x512xf32>
    %reduce_max3A = arith.constant dense<0xFF800000> : vector<512xf32>
    %reduce_max3A_14 = vector.multi_reduction <maximumf>, %sub3A_13, %reduce_max3A [0] : vector<1024x512xf32> to vector<512xf32>
    %broadcast_in_dim3A = vector.shape_cast %reduce_max3A_14 : vector<512xf32> to vector<1x512xf32>
    %iota3A = tpu.iota {dimensions = array<i32: 0>} : vector<1024x512xi32>
    %eq3A_15 = vector.broadcast %broadcast_in_dim3A : vector<1x512xf32> to vector<1024x512xf32>
    %eq3A_16 = arith.cmpf oeq, %sub3A_13, %eq3A_15 : vector<1024x512xf32>
    %jit3A = arith.constant 1024 : i32
    %broadcast_in_dim3A_17 = vector.broadcast %jit3A : i32 to vector<1024x512xi32>
    %select_n3A = arith.select %eq3A_16, %iota3A, %broadcast_in_dim3A_17 : vector<1024x512xi1>, vector<1024x512xi32>
    %reduce_min3A = arith.constant dense<2147483647> : vector<512xi32>
    %reduce_min3A_18 = vector.multi_reduction <minsi>, %select_n3A, %reduce_min3A [0] : vector<1024x512xi32> to vector<512xi32>
    %swap3A = arith.constant 0 : index
    %swap3A_19 = vector.load %arg3[%swap3A] : memref<512xi32, #tpu.memory_space<vmem>>, vector<512xi32>
    tpu.vector_store %arg3[%swap3A], %reduce_min3A_18 {strides = array<i32>} : memref<512xi32, #tpu.memory_space<vmem>>, vector<512xi32>,
    %broadcast_in_dim3A_20 = vector.shape_cast %reduce_min3A_18 : vector<512xi32> to vector<1x512xi32>
    %eq3A_21 = vector.broadcast %broadcast_in_dim3A_20 : vector<1x512xi32> to vector<1024x512xi32>
    %eq3A_22 = arith.cmpi eq, %iota3A, %eq3A_21 : vector<1024x512xi32>
    %convert_element_type3A_23 = arith.extui %eq3A_22 : vector<1024x512xi1> to vector<1024x512xi32>
    %convert_element_type3A_24 = arith.sitofp %convert_element_type3A_23 : vector<1024x512xi32> to vector<1024x512xf32>
    %reduce_sum3A = arith.constant dense<0.000000e+00> : vector<1024xf32>
    %reduce_sum3A_25 = vector.multi_reduction <add>, %convert_element_type3A_24, %reduce_sum3A [1] : vector<1024x512xf32> to vector<1024xf32>
    %broadcast_in_dim3A_26 = vector.shape_cast %reduce_sum3A_25 : vector<1024xf32> to vector<1024x1xf32>
    %get3A_27 = arith.constant 0 : index
    %get3A_28 = arith.constant 0 : index
    %get3A_29 = vector.load %arg4[%get3A_27, %get3A_28] : memref<1024x8xf32, #tpu.memory_space<vmem>>, vector<1024x8xf32>
    %broadcast_in_dim3A_30 = vector.shape_cast %broadcast_in_dim3A_26 : vector<1024x1xf32> to vector<1024x1xf32>
    %broadcast_in_dim3A_31 = vector.broadcast %broadcast_in_dim3A_30 : vector<1024x1xf32> to vector<1024x8xf32>
    %add3A = arith.addf %get3A_29, %broadcast_in_dim3A_31 : vector<1024x8xf32>
    %swap3A_32 = arith.constant 0 : index
    %swap3A_33 = arith.constant 0 : index
    %swap3A_34 = vector.load %arg4[%swap3A_32, %swap3A_33] : memref<1024x8xf32, #tpu.memory_space<vmem>>, vector<1024x8xf32>
    tpu.vector_store %arg4[%swap3A_32, %swap3A_33], %add3A {strides = array<i32>} : memref<1024x8xf32, #tpu.memory_space<vmem>>, vector<1024x8xf32>,
    %reshape3A = vector.shape_cast %get3A_3 : vector<512x256xf32> to vector<64x8x16x16xf32>
    %transpose3A = tpu.transpose %reshape3A, [2, 0, 1, 3] : vector<64x8x16x16xf32> -> vector<16x64x8x16xf32>
    %reshape3A_35 = vector.shape_cast %transpose3A : vector<16x64x8x16xf32> to vector<16x64x128xf32>
    %swap3A_36 = arith.constant 0 : index
    %swap3A_37 = arith.constant 0 : index
    %swap3A_38 = arith.constant 0 : index
    %swap3A_39 = vector.load %arg5[%swap3A_36, %swap3A_37, %swap3A_38] : memref<16x64x128xf32, #tpu.memory_space<vmem>>, vector<16x64x128xf32>
    tpu.vector_store %arg5[%swap3A_36, %swap3A_37, %swap3A_38], %reshape3A_35 {strides = array<i32>} : memref<16x64x128xf32, #tpu.memory_space<vmem>>, vector<16x64x128xf32>,
    return
  }
  func.func @transform_0(%arg0: i32) -> (i32, i32) {
    %c0_i32 = arith.constant 0 : i32
    %c0_i32_0 = arith.constant 0 : i32
    return %arg0, %c0_i32 : i32, i32
  }
  func.func @transform_1(%arg0: i32) -> (i32, i32) {
    %c0_i32 = arith.constant 0 : i32
    %c0_i32_0 = arith.constant 0 : i32
    %c0_i32_1 = arith.constant 0 : i32
    return %c0_i32, %c0_i32_0 : i32, i32
  }
  func.func @transform_2(%arg0: i32) -> i32 {
    %c0_i32 = arith.constant 0 : i32
    return %arg0 : i32
  }
  func.func @transform_3(%arg0: i32) -> (i32, i32) {
    %c0_i32 = arith.constant 0 : i32
    %c0_i32_0 = arith.constant 0 : i32
    %c0_i32_1 = arith.constant 0 : i32
    return %c0_i32, %c0_i32_0 : i32, i32
  }
  func.func @transform_4(%arg0: i32) -> (i32, i32, i32) {
    %c0_i32 = arith.constant 0 : i32
    %c0_i32_0 = arith.constant 0 : i32
    %c0_i32_1 = arith.constant 0 : i32
    return %c0_i32, %arg0, %c0_i32_0 : i32, i32, i32
  }
}

module attributes {stable_mosaic.version = 14 : i64} {
  func.func @_combine_body(%arg0: memref<2x1024x256xf32, #tpu.memory_space<vmem>>, %arg1: memref<1024x8xf32, #tpu.memory_space<vmem>>, %arg2: memref<1024x256xf32, #tpu.memory_space<vmem>>, %arg3: memref<1024x256xf32, #tpu.memory_space<vmem>>) attributes {dimension_semantics = [], scalar_prefetch = 0 : i64, scratch_operands = 0 : i64, tpu.core_type = #tpu.core_type<tc>} {
    %get3A = arith.constant 0 : index
    %get3A_0 = arith.constant 0 : index
    %get3A_1 = arith.constant 0 : index
    %get3A_2 = vector.load %arg0[%get3A, %get3A_0, %get3A_1] : memref<2x1024x256xf32, #tpu.memory_space<vmem>>, vector<1x1024x256xf32>
    %get3A_3 = vector.shape_cast %get3A_2 : vector<1x1024x256xf32> to vector<1024x256xf32>
    %get3A_4 = arith.constant 1 : index
    %get3A_5 = arith.constant 0 : index
    %get3A_6 = arith.constant 0 : index
    %get3A_7 = vector.load %arg0[%get3A_4, %get3A_5, %get3A_6] : memref<2x1024x256xf32, #tpu.memory_space<vmem>>, vector<1x1024x256xf32>
    %get3A_8 = vector.shape_cast %get3A_7 : vector<1x1024x256xf32> to vector<1024x256xf32>
    %add3A = arith.addf %get3A_3, %get3A_8 : vector<1024x256xf32>
    %get3A_9 = arith.constant 0 : index
    %get3A_10 = arith.constant 0 : index
    %get3A_11 = vector.load %arg1[%get3A_9, %get3A_10] : memref<1024x8xf32, #tpu.memory_space<vmem>>, vector<1024x1xf32>
    %max3A = arith.constant 1.000000e+00 : f32
    %max3A_12 = vector.broadcast %max3A : f32 to vector<1024x1xf32>
    %max3A_13 = arith.maximumf %get3A_11, %max3A_12 : vector<1024x1xf32>
    %div3A = vector.broadcast %max3A_13 : vector<1024x1xf32> to vector<1024x256xf32>
    %div3A_14 = arith.divf %add3A, %div3A : vector<1024x256xf32>
    %gt3A = arith.constant 0.000000e+00 : f32
    %gt3A_15 = vector.broadcast %gt3A : f32 to vector<1024x1xf32>
    %gt3A_16 = arith.cmpf ogt, %get3A_11, %gt3A_15 : vector<1024x1xf32>
    %get3A_17 = arith.constant 0 : index
    %get3A_18 = arith.constant 0 : index
    %get3A_19 = vector.load %arg2[%get3A_17, %get3A_18] : memref<1024x256xf32, #tpu.memory_space<vmem>>, vector<1024x256xf32>
    %broadcast_in_dim3A = vector.shape_cast %gt3A_16 : vector<1024x1xi1> to vector<1024x1xi1>
    %broadcast_in_dim3A_20 = vector.broadcast %broadcast_in_dim3A : vector<1024x1xi1> to vector<1024x256xi1>
    %select_n3A = arith.select %broadcast_in_dim3A_20, %div3A_14, %get3A_19 : vector<1024x256xi1>, vector<1024x256xf32>
    %swap3A = arith.constant 0 : index
    %swap3A_21 = arith.constant 0 : index
    %swap3A_22 = vector.load %arg3[%swap3A, %swap3A_21] : memref<1024x256xf32, #tpu.memory_space<vmem>>, vector<1024x256xf32>
    tpu.vector_store %arg3[%swap3A, %swap3A_21], %select_n3A {strides = array<i32>} : memref<1024x256xf32, #tpu.memory_space<vmem>>, vector<1024x256xf32>,
    return
  }
}

</mosaic_0001>

<sc_bundles>
// kernel: kernel.5.cloned.1.call-start
scs
__scs_entry_jumppad:
0x0: {  	(pc) =	sbr.rel $0x88, $3  }
0x1: {  	(tag) =	ssettag $0x0;
	lr =	simm.s32 $0x1  }
0x2: {  	[smem:$0x3F9F] =	sst lr;
	_ =	strace $0xD0000000  }
0x3: {  	_ = 	snop  }
0x4: {  	_ = 	snop  }
0x5: {  	_ = 	snop  }
0x6: {  	_ = 	snop  }
0x7: {  	_ = 	snop  }
__scs_overlays_trampoline_lowered:
0x8: {  	[smem:$0x3FAE] =	sst s0  }
0x9: {  	[smem:$0x3FAF] =	sst s1  }
0xa: {  	[smem:$0x3FB0] =	sst s2  }
0xb: {  	[smem:$0x3FB1] =	sst s3  }
0xc: {  	[smem:$0x3FB2] =	sst s4  }
0xd: {  	[smem:$0x3FB3] =	sst s5  }
0xe: {  	[smem:$0x3FB4] =	sst s6  }
0xf: {  	[smem:$0x3FB5] =	sst s7  }
0x10: {  	[smem:$0x3FB6] =	sst s8  }
0x11: {  	[smem:$0x3FB7] =	sst s9;
	s0 =	simm.s32 @!p0 $0x0  }
0x12: {  	s1 =	sld [smem:$0x3F9D];
	s0 =	simm.s32 @p0 $0x1  }
0x13: {  	[smem:$0x3FB8] =	sst s0;
	s0 =	simm.s32 @!p1 $0x0  }
0x14: {  	s2 =	sld [smem:$0x3F9C];
	s0 =	simm.s32 @p1 $0x1  }
0x15: {  	[smem:$0x3FB9] =	sst s0;
	s0 =	simm.s32 @!p2 $0x0  }
0x16: {  	s3 =	sld [smem:$0x3FDB];
	s0 =	simm.s32 @p2 $0x1  }
0x17: {  	s4 =	simm.s32 $0x1BF5;
	[smem:$0x3FBB] =	sst s0  }
0x18: {  	s0 =	sld [smem:$0x3F9E];
	_ =	swait.ge [sflag:s4], $0x0  }
0x19: {  	s7 =	sld [smem:$0x3F9F]  }
0x1a: {  	s8 =	sadd.s32 $0xFFFFE003, lr  }
0x1b: {  	s9 =	sadd.s32 $0xFFFFFEF7, lr;
	s5 =	simm.s32 $0xFFFFFFFF;
	p2 =	slt.u32 s8, $0xFFFFF086  }
0x1c: {  	p1 =	slt.u32 s9, $0xF7A;
	s5 =	simm.s32 @!p2 $0x0  }
0x1d: {  	s5 =	simm.s32 @p1 $0x1;
	p0 =	seq.s32 s7, s2  }
0x1e: {  	s7 =	smul.u32 @!p0 $0xF7A, s2;
	p2 =	seq.s32 @!p0 s5, $0x0  }
0x1f: {  	s9 =	smul.u32 $0xF7A, s1;
	s8 =	simm.s32 @!p0 $0x1BF5;
	p2 =	por !p2, p0  }
0x20: {  	[sflag:s8] =	ssyncset.s32 @!p0 $0xFFFFF086;
	s6 =	sadd.s32 @!p0 s3, s7;
	s7 =	simm.s32 @!p0 $0x108  }
0x21: {  	s3 =	sadd.s32 s3, s9;
	s6 =	sadd.s32 @!p0 $0x88, s6;
	s7 =	simm.s32 @p2 $0x1082  }
0x22: {  	[simem:s7], [sflag:s8] =	dma.local @!p0 [hbm:s6], $0xF7A  }
0x23: {  	s9 =	sor.u32 $0xD0000000, s2;
	s6 =	simm.s32 $0x108;
	_ =	swait.ge @!p0 [sflag:s8], $0x0  }
0x24: {  	s3 =	sadd.s32 $0x88, s3;
	s6 =	simm.s32 @!p1 $0x1082;
	[sflag:s4] =	ssyncset.s32 $0xFFFFF086  }
0x25: {  	[simem:s6], [sflag:s4] =	dma.local [hbm:s3], $0xF7A  }
0x26: {  	[smem:$0x3F9F] =	sst s1;
	(tag) =	ssettag s2;
	_ =	strace s9  }
0x27: {  	s1 =	sld [smem:$0x3FAF]  }
0x28: {  	s2 =	sld [smem:$0x3FB0]  }
0x29: {  	s4 =	sld [smem:$0x3FB2]  }
0x2a: {  	p0 =	seq.s32 s5, $0x0;
	s5 =	sld [smem:$0x3FB3]  }
0x2b: {  	s6 =	sld [smem:$0x3FB4]  }
0x2c: {  	s7 =	sld [smem:$0x3FB5]  }
0x2d: {  	s3 =	simm.s32 $0x108;
	s8 =	sld [smem:$0x3FB6]  }
0x2e: {  	s3 =	simm.s32 @!p0 $0x1082;
	s9 =	sld [smem:$0x3FB7]  }
0x2f: {  	lr =	sadd.s32 s0, s3;
	s0 =	sld [smem:$0x3FAE]  }
0x30: {  	s3 =	sld [smem:$0x3FB1]  }
0x31: {  	[smem:$0x3FBA] =	sst s10  }
0x32: {  	s10 =	sld [smem:$0x3FB8];
	_ =	sdelay $0x3  }
0x33: {  	p0 =	seq.s32 s10, $0x1;
	s10 =	sld [smem:$0x3FBA];
	_ =	sdelay $0x3  }
0x34: {  	[smem:$0x3FBA] =	sst s10  }
0x35: {  	s10 =	sld [smem:$0x3FB9];
	_ =	sdelay $0x3  }
0x36: {  	p1 =	seq.s32 s10, $0x1;
	s10 =	sld [smem:$0x3FBA];
	_ =	sdelay $0x3  }
0x37: {  	[smem:$0x3FBA] =	sst s10  }
0x38: {  	s10 =	sld [smem:$0x3FBB]  }
0x39: {  	_ = 	snop;
	(pc) =	sbr.ind lr, $3  }
0x3a: {  	_ = 	snop  }
0x3b: {  	_ = 	snop  }
0x3c: {  	p2 =	seq.s32 s10, $0x1;
	s10 =	sld [smem:$0x3FBA]  }
0x3d: {  	_ =	shalt  }
0x3e: {  	_ =	shalt  }
0x3f: {  	_ =	shalt  }
0x40: {  	_ =	shalt  }
0x41: {  	_ =	shalt  }
0x42: {  	_ =	shalt  }
0x43: {  	_ =	shalt  }
0x44: {  	_ =	shalt  }
0x45: {  	_ =	shalt  }
0x46: {  	_ =	shalt  }
0x47: {  	_ =	shalt  }
0x48: {  	_ =	shalt  }
0x49: {  	_ =	shalt  }
0x4a: {  	_ =	shalt  }
0x4b: {  	_ =	shalt  }
0x4c: {  	_ =	shalt  }
0x4d: {  	_ =	shalt  }
0x4e: {  	_ =	shalt  }
0x4f: {  	_ =	shalt  }
0x50: {  	_ =	shalt  }
0x51: {  	_ =	shalt  }
0x52: {  	_ =	shalt  }
0x53: {  	_ =	shalt  }
0x54: {  	_ =	shalt  }
0x55: {  	_ =	shalt  }
0x56: {  	_ =	shalt  }
0x57: {  	_ =	shalt  }
0x58: {  	_ =	shalt  }
0x59: {  	_ =	shalt  }
0x5a: {  	_ =	shalt  }
0x5b: {  	_ =	shalt  }
0x5c: {  	_ =	shalt  }
0x5d: {  	_ =	shalt  }
0x5e: {  	_ =	shalt  }
0x5f: {  	_ =	shalt  }
0x60: {  	_ =	shalt  }
0x61: {  	_ =	shalt  }
0x62: {  	_ =	shalt  }
0x63: {  	_ =	shalt  }
0x64: {  	_ =	shalt  }
0x65: {  	_ =	shalt  }
0x66: {  	_ =	shalt  }
0x67: {  	_ =	shalt  }
0x68: {  	_ =	shalt  }
0x69: {  	_ =	shalt  }
0x6a: {  	_ =	shalt  }
0x6b: {  	_ =	shalt  }
0x6c: {  	_ =	shalt  }
0x6d: {  	_ =	shalt  }
0x6e: {  	_ =	shalt  }
0x6f: {  	_ =	shalt  }
0x70: {  	_ =	shalt  }
0x71: {  	_ =	shalt  }
0x72: {  	_ =	shalt  }
0x73: {  	_ =	shalt  }
0x74: {  	_ =	shalt  }
0x75: {  	_ =	shalt  }
0x76: {  	_ =	shalt  }
0x77: {  	_ =	shalt  }
0x78: {  	_ =	shalt  }
0x79: {  	_ =	shalt  }
0x7a: {  	_ =	shalt  }
0x7b: {  	_ =	shalt  }
0x7c: {  	_ =	shalt  }
0x7d: {  	_ =	shalt  }
0x7e: {  	_ =	shalt  }
0x7f: {  	_ =	shalt  }
0x80: {  	_ =	shalt  }
0x81: {  	_ =	shalt  }
0x82: {  	_ =	shalt  }
0x83: {  	_ =	shalt  }
0x84: {  	_ =	shalt  }
0x85: {  	_ =	shalt  }
0x86: {  	_ =	shalt  }
0x87: {  	_ =	shalt  }
.Lfunc_end0:
.L_simem_size_0:
called_computation_lowered:
.L_overlay_start_0:
0x88: {  	s2 =	sld [smem:$0x3FD9]  }
0x89: {  	s3 =	sld [smem:$0x3FFE];
	_ =	sdelay $0x1  }
0x8a: {  	s1 =	srdreg.scid  }
0x8b: {  	s0 =	sand.u32 $0x1, s1  }
0x8c: {  	s14 =	sshll.u32 s0, $0xA;
	s2 =	sadd.s32 s3, s2  }
0x8d: {  	s2 =	sadd.s32 s2, s14  }
0x8e: {  	[smem:$0x3FC6] =	sst s2  }
0x8f: {  	_ = 	snop  }
0x90: {  	s2 =	sld [smem:$0x3FD0];
	_ =	sdelay $0x2  }
0x91: {  	s15 =	simm.s32 $0xA;
	s4 =	simm.s32 $0x10  }
0x92: {  	[smem:s4], [sflag:s15] =	dma.local [hbm:s2], $0x1  }
0x93: {  	_ =	swait.eq [sflag:s15], $0x1  }
0x94: {  	[sflag:s15] =	ssyncset.done $0x0  }
0x95: {  	[sflag:s15] =	ssyncadd.s32 $0xFFFFFFFF  }
0x96: {  	s16 =	sld [smem:$0x10];
	(tm) =	ssettm $0x1  }
0x97: {  	s17 =	sld [smem:$0x3FFB];
	_ =	sdelay $0x3  }
0x98: {  	_ =	strace s17  }
0x99: {  	s3 =	sld [smem:$0x3FFC];
	_ =	sdelay $0x3  }
0x9a: {  	_ =	strace s3  }
0x9b: {  	s3 =	sld [smem:$0x3FFD];
	_ =	sdelay $0x3  }
0x9c: {  	_ =	strace s3  }
0x9d: {  	_ =	strace $0x8FFFFFFF  }
0x9e: {  	s18 =	sld [smem:$0x3FDB];
	_ =	sdelay $0x1  }
0x9f: {  	s19 =	simm.s32 $_scs_section_size  }
0xa0: {  	s5 =	simm.s32 $_size__tile_overlayer_lowered;
	s6 =	simm.s32 $_tile_overlayer_lowered  }
0xa1: {  	s22 =	simm.s32 $0x1BFF;
	s21 =	sshll.u32 s6, $0x1;
	s3 =	sadd.s32 s19, s18  }
0xa2: {  	s7 =	simm.s32 $0x0;
	s20 =	sshll.u32 s5, $0x1;
	s5 =	sadd.s32 s21, s3  }
0xa3: {  	[timem:s7], [sflag:s22] =	dma.local [hbm:s5], s20  }
0xa4: {  	_ =	swait.ge [sflag:s22], s20  }
0xa5: {  	s4 =	ssub.s32 $0x0, s20;
	[sflag:s22] =	ssyncset.done $0x0  }
0xa6: {  	[sflag:s22] =	ssyncadd.s32 s4;
	_ =	sdelay $0x1  }
0xa7: {  	s23 =	simm.s32 $0x1B8B  }
0xa8: {  	_ =	swait.ge [sflag:s23], $0x1  }
0xa9: {  	[sflag:s23] =	ssyncset.done $0x0  }
0xaa: {  	s25 =	simm.s32 $0x1B8E;
	s24 =	sld [smem:$0x3FFE];
	[sflag:s23] =	ssyncadd.s32 $0xFFFFFFFF  }
0xab: {  	s26 =	simm.s32 $execute0_lowered;
	[smem:$0x3FD2] =	sst s25  }
0xac: {  	s5 =	sshll.u32 s26, $0x1;
	_ =	strace $0x80000046;
	[dreg:$0x1] =	wrdreg $0xFFFFFFFF  }
0xad: {  	s28 =	simm.s32 $_size_execute0_lowered;
	s3 =	sadd.s32 s3, s5;
	[dreg:$0x0] =	wrdreg $0x0  }
0xae: {  	s5 =	sshll.u32 s28, $0x1;
	[dreg:$0x2] =	wrdreg s3  }
0xaf: {  	[dreg:$0x3] =	wrdreg s5  }
0xb0: {  	[dreg:$0x4] =	wrdreg $0xC0  }
0xb1: {  	_ =	task [dreg:s7], $0x5FFFF  }
0xb2: {  	[dreg:$0x1] =	wrdreg $0xFFFFFFFF  }
0xb3: {  	[dreg:$0x0] =	wrdreg $0x60  }
0xb4: {  	[dreg:$0x2] =	wrdreg s24  }
0xb5: {  	[dreg:$0x3] =	wrdreg s16  }
0xb6: {  	[dreg:$0x4] =	wrdreg $0x9  }
0xb7: {  	_ =	task.clear_ibuf [dreg:s7], $0x5FFFF;
	_ =	strace $0x90000046  }
0xb8: {  	s29 =	simm.s32 $0x9;
	_ =	strace $0x80000048  }
0xb9: {  	_ =	swait.ge [sflag:s29], $0x1  }
0xba: {  	[sflag:s29] =	ssyncadd.s32 $0xFFFFFFFF  }
0xbb: {  	_ =	strace $0x90000048  }
0xbc: {  	_ =	sfence  }
0xbd: {  	s30 =	sld [smem:$0x0];
	_ =	sdelay $0x2  }
0xbe: {  	s31 =	sshll.u32 s1, $0xD;
	s1 =	sshrl.u32 s1, $0x2  }
0xbf: {  	s3 =	sand.u32 $0x4000, s31;
	s1 =	sadd.s32 s1, s30  }
0xc0: {  	s0 =	sor.u32 s3, s0;
	s1 =	sshll.u32 s1, $0x11  }
0xc1: {  	s0 =	sor.u32 s1, s0  }
0xc2: {  	s0 =	sadd.s32 $0x8F2B, s0  }
0xc3: {  	[sflag:s0] =	ssyncadd.remote.s32 $0x1  }
0xc4: {  	_ =	sfence.sel $0xFFFF  }
0xc5: {  	[dreg:$0x0] =	wrdreg $0xFFFFFFFF;
	(pc) =	sbr.abs _section_cstart, $3  }
0xc6: {  	[dreg:$0x1] =	wrdreg $0xFFFFFFFF  }
0xc7: {  	_ =	task.clear_ibuf [dreg:s7], $0x2FFFF;
	_ =	strace $0x9FFFFFFF  }
0xc8: {  	(tm) =	ssettm $0x7FFFFFFF  }
0xc9: {  	_ =	shalt  }
tec
execute0_lowered:
.L_overlay_start_1:
0x0: {  	(tag) =	ssettag $0x1  }
0x1: {  	s0 =	rddreg [dreg:$0x0]  }
0x2: {  	s1 =	rddreg [dreg:$0x1]  }
0x3: {  	s2 =	simm.s32 $0x0;
	s7 =	stileid.u32;
	s25 =	srdreg.scid  }
0x4: {  	s13 =	simm.s32 $0x1;
	s15 =	simm.s32 $0x2;
	s17 =	simm.s32 $0x0  }
0x5: {  	[smem:$0x7FF] =	sst s2;
	s4 =	sshll.u32 s7, $0xB;
	s2 =	sand.u32 $0x1, s25  }
0x6: {  	s3 =	sadd.s32 $0x800, s0;
	s7 =	sshll.u32 s7, $0x14;
	_ =	strace $0x80000047  }
0x7: {  	s0 =	sadd.s32 s4, s0;
	s26 =	ssub.s32 $0x2, s2;
	s6 =	sshll.u32 s2, $0x13  }
0x8: {  	s8 =	sshll.u32 s2, $0xC;
	s2 =	sshll.u32 s2, $0xF;
	s5 =	sshrl.u32 s26, $0x1  }
0x9: {  	s28 =	sor.u32 s6, s7;
	s1 =	sadd.s32 s1, s8;
	s0 =	sadd.s32 s2, s0  }
.Ltmp0:
0xa: {  	[dreg:$0x3] =	wrdreg s1;
	s30 =	sor.u32 $0x8000, s28;
	(pc) =	sbr.rel .LBB2_1-.Ltmp0, $4  }
0xb: {  	s29 =	sshrl.u32 s28, $0x3;
	s0 =	sadd.s32 $0x200800, s0;
	[dreg:$0x5] =	wrdreg s30  }
0xc: {  	s5 =	ssub.s32 s26, s5;
	s1 =	sadd.s32 s3, s29;
	[dreg:$0x6] =	wrdreg s0  }
0xd: {  	s2 =	simm.s32 $0x3;
	s31 =	smax.u32 s5, $0x1;
	[dreg:$0x4] =	wrdreg s1  }
0xe: {  	v0 =	vimm.f32 $0.0e+00;
	s7 =	smov.u32 s28;
	[dreg:$0x7] =	wrdreg s31;
	s1 =	simm.s32 $0x0  }
.LBB2_10:
0xf: {  	s0 =	simm.s32 $0x0;
	s1 =	rddreg [dreg:$0x6];
	s2 =	simm.s32 $0x3  }
0x10: {  	[hbm4b:s1+s0] =	stream.linear.scatter [tilespmem:s0], [sflag:$0x3], $0x4000, $0x38;
	[tilespmem:$0x14000] =	vst v63  }
0x11: {  	_ =	swait.ge [sflag:s2], $0x4000  }
0x12: {  	s30 =	rddreg [dreg:$0x8]  }
0x13: {  	s31 =	rddreg [dreg:$0x7];
	s1 =	sadd.s32 $0x1, s30  }
0x14: {  	p0 =	sne.s32 s1, s31  }
.Ltmp1:
0x15: {  	_ = 	snop;
	(pc) =	sbr.rel @!p0 .LBB2_11-.Ltmp1, $3  }
0x16: {  	_ =	sdelay $0x1  }
0x17: {  	[sflag:s2] =	ssyncset.done $0x0  }
0x18: {  	[sflag:s2] =	ssyncadd.s32 $0xFFFFC000  }
.LBB2_1:
0x19: {  	[dreg:$0x8] =	wrdreg s1;
	s0 =	simm.s32 $0x0;
	s1 =	simm.s32 $0x200  }
.LBB2_2:
0x1a: {  	p0 =	sne.s32 s1, $0xFE00;
	[tilespmem:s0+$0x70] =	vst v0  }
0x1b: {  	[tilespmem:s0+$0x0] =	vst v0  }
0x1c: {  	[tilespmem:s0+$0x10] =	vst v0  }
.Ltmp2:
0x1d: {  	[tilespmem:s0+$0x20] =	vst v0;
	(pc) =	sbr.rel @p0 .LBB2_2-.Ltmp2, $4  }
0x1e: {  	[tilespmem:s0+$0x30] =	vst v0  }
0x1f: {  	[tilespmem:s0+$0x40] =	vst v0  }
0x20: {  	[tilespmem:s0+$0x50] =	vst v0  }
0x21: {  	[tilespmem:s0+$0x60] =	vst v0;
	s0 =	sshra.s32 s1, $0x2;
	s1 =	sadd.s32 $0x200, s1  }
0x22: {  	[tilespmem:s0+$0x70] =	vst v0  }
0x23: {  	[tilespmem:s0+$0x0] =	vst v0  }
0x24: {  	[tilespmem:s0+$0x10] =	vst v0  }
0x25: {  	[tilespmem:s0+$0x20] =	vst v0  }
0x26: {  	[tilespmem:s0+$0x30] =	vst v0  }
0x27: {  	[tilespmem:s0+$0x40] =	vst v0  }
0x28: {  	[tilespmem:s0+$0x50] =	vst v0  }
0x29: {  	[tilespmem:s0+$0x60] =	vst v0  }
0x2a: {  	s1 =	simm.s32 $0x4000;
	s0 =	rddreg [dreg:$0x3]  }
0x2b: {  	[tilespmem:s1], [sflag:$0x3] =	stream.linear.gather [hbm4b:s0+s17], $0x8000, $0x38;
	[tilespmem:$0x14000] =	vst v63  }
0x2c: {  	_ =	swait.ge [sflag:s2], $0x8000  }
0x2d: {  	[sflag:s2] =	ssyncset.done $0x0  }
0x2e: {  	s31 =	simm.s32 $0xC000;
	s30 =	rddreg [dreg:$0x4];
	[sflag:s2] =	ssyncadd.s32 $0xFFFF8000  }
0x2f: {  	[tilespmem:s31], [sflag:$0x1] =	stream.linear.gather [hbm4b:s30+s17], $0x4000, $0x38;
	[tilespmem:$0x14000] =	vst v63  }
0x30: {  	_ =	swait.ge [sflag:s13], $0x4000  }
0x31: {  	[sflag:s13] =	ssyncset.done $0x0  }
0x32: {  	s18 =	simm.s32 $0x0;
	[sflag:s13] =	ssyncadd.s32 $0xFFFFC000  }
.LBB2_4:
0x33: {  	s19 =	sshllo.u32 s18, $0x1  }
0x34: {  	s0 =	sshll.u32 s19, $0xE  }
0x35: {  	s0 =	sadd.s32 s7, s0  }
0x36: {  	s0 =	sshrl.u32 s0, $0x3  }
0x37: {  	s1 =	simm.s32 $0x10000;
	s8 =	sshll.u32 s18, $0xB;
	s0 =	sadd.s32 s3, s0  }
0x38: {  	[tilespmem:s1], [sflag:$0x2] =	stream.linear.gather [hbm4b:s0+s17], $0x4000, $0x38;
	[tilespmem:$0x14000] =	vst v63  }
0x39: {  	s0 =	sand.u32 $0x3FFFF800, s8  }
0x3a: {  	s9 =	sand.u32 $0x380, s17;
	s21 =	sadd.s32 $0x4000, s0  }
0x3b: {  	s10 =	sand.u32 $0x60, s17;
	s2 =	simm.s32 $0x10;
	s0 =	sadd.s32 s9, s21  }
0x3c: {  	s5 =	sand.u32 $0x380, s2;
	s0 =	sadd.s32 s10, s0  }
0x3d: {  	s11 =	sand.u32 $0x70, s2;
	s12 =	sadd.s32 s5, s21;
	v1 =	vld [tilespmem:s0+$0x0]  }
0x3e: {  	s14 =	sadd.s32 s11, s12  }
0x3f: {  	v2 =	vld [tilespmem:s14+$0x0];
	_ =	sdelay $0x2  }
0x40: {  	v1 =	vshll.u32 v1, $0x4  }
0x41: {  	(v2sf) =	vpush v1, $0x0  }
0x42: {  	v2 =	vshll.u32 v2, $0x4;
	(v2sf) =	vpush v1, $0x1  }
0x43: {  	(v2sf) =	vpush v2, $0x0;
	_ =	sdelay $0x1  }
0x44: {  	(v2sf) =	vpush v1, $0x2  }
0x45: {  	(v2sf) =	vpush v1, $0x3  }
0x46: {  	(v2sf) =	vpush v1, $0x4  }
0x47: {  	(v2sf) =	vpush v1, $0x5  }
0x48: {  	(v2sf) =	vpush v2, $0x1;
	_ =	sdelay $0x1  }
0x49: {  	(v2sf) =	vpush v1, $0x6  }
0x4a: {  	(v2sf) =	vpush v1, $0x7  }
0x4b: {  	s20 =	simm.s32 $0xC100;
	(v2sf) =	vpush v1, $0x8  }
0x4c: {  	v3 =	vld [tilespmem:s20+$0x0];
	(v2sf) =	vpush v1, $0x9  }
0x4d: {  	(v2sf) =	vpush v2, $0x2  }
0x4e: {  	s16 =	spop (v2sf)  }
0x4f: {  	v4 =	vld [tilespmem:s20+$0xFFFFFF00];
	(v2sf) =	vpush v1, $0xA;
	s22 =	spop (v2sf)  }
0x50: {  	(v2sf) =	vpush v1, $0xB;
	s23 =	spop (v2sf)  }
0x51: {  	(v2sf) =	vpush v1, $0xC;
	[tilespmem:s23+$0x0] =	vst.add.f32.msk $0xffff, v3  }
0x52: {  	s6 =	spop (v2sf);
	(v2sf) =	vpush v1, $0xD;
	v3 =	vld [tilespmem:s20+$0x10]  }
0x53: {  	s8 =	spop (v2sf);
	(v2sf) =	vpush v2, $0x3  }
0x54: {  	[tilespmem:s16+$0x0] =	vst.add.f32.msk $0xffff, v4;
	s9 =	spop (v2sf)  }
0x55: {  	v4 =	vld [tilespmem:s20+$0xFFFFFF10];
	s10 =	spop (v2sf)  }
0x56: {  	s24 =	spop (v2sf)  }
0x57: {  	(v2sf) =	vpush v1, $0xE;
	[tilespmem:s24+$0x0] =	vst.add.f32.msk $0xffff, v3  }
0x58: {  	(v2sf) =	vpush v1, $0xF;
	s11 =	spop (v2sf);
	v1 =	vld [tilespmem:s20+$0x20]  }
0x59: {  	s12 =	spop (v2sf);
	(v2sf) =	vpush v2, $0x4  }
0x5a: {  	[tilespmem:s22+$0x0] =	vst.add.f32.msk $0xffff, v4;
	s5 =	spop (v2sf)  }
0x5b: {  	v3 =	vld [tilespmem:s20+$0xFFFFFF20];
	s2 =	spop (v2sf)  }
0x5c: {  	s25 =	spop (v2sf)  }
0x5d: {  	[tilespmem:s25+$0x0] =	vst.add.f32.msk $0xffff, v1  }
0x5e: {  	s1 =	spop (v2sf);
	v1 =	vld [tilespmem:s20+$0x30]  }
0x5f: {  	(v2sf) =	vpush v2, $0x5;
	s30 =	spop (v2sf)  }
0x60: {  	[tilespmem:s6+$0x0] =	vst.add.f32.msk $0xffff, v3;
	s0 =	spop (v2sf)  }
0x61: {  	v3 =	vld [tilespmem:s20+$0xFFFFFF30];
	s24 =	spop (v2sf)  }
0x62: {  	s26 =	spop (v2sf)  }
0x63: {  	[tilespmem:s26+$0x0] =	vst.add.f32.msk $0xffff, v1  }
0x64: {  	v1 =	vld [tilespmem:s20+$0x40]  }
0x65: {  	(v2sf) =	vpush v2, $0x6  }
0x66: {  	[tilespmem:s8+$0x0] =	vst.add.f32.msk $0xffff, v3;
	s23 =	spop (v2sf)  }
0x67: {  	v3 =	vld [tilespmem:s20+$0xFFFFFF40];
	s22 =	spop (v2sf)  }
0x68: {  	s4 =	spop (v2sf)  }
0x69: {  	[tilespmem:s4+$0x0] =	vst.add.f32.msk $0xffff, v1  }
0x6a: {  	v1 =	vld [tilespmem:s20+$0x50]  }
0x6b: {  	(v2sf) =	vpush v2, $0x7  }
0x6c: {  	[tilespmem:s9+$0x0] =	vst.add.f32.msk $0xffff, v3  }
0x6d: {  	v3 =	vld [tilespmem:s20+$0xFFFFFF50]  }
0x6e: {  	s8 =	spop (v2sf)  }
0x6f: {  	[tilespmem:s8+$0x0] =	vst.add.f32.msk $0xffff, v1  }
0x70: {  	v1 =	vld [tilespmem:s20+$0x60]  }
0x71: {  	(v2sf) =	vpush v2, $0x8  }
0x72: {  	[tilespmem:s10+$0x0] =	vst.add.f32.msk $0xffff, v3  }
0x73: {  	s10 =	simm.s32 $0x20;
	v3 =	vld [tilespmem:s20+$0xFFFFFF60]  }
0x74: {  	s9 =	spop (v2sf);
	s14 =	sand.u32 $0x380, s10  }
0x75: {  	s6 =	sand.u32 $0x60, s10;
	s8 =	sadd.s32 s14, s21;
	[tilespmem:s9+$0x0] =	vst.add.f32.msk $0xffff, v1  }
0x76: {  	s16 =	simm.s32 $0x30;
	s6 =	sadd.s32 s6, s8;
	v1 =	vld [tilespmem:s20+$0x70]  }
0x77: {  	s25 =	sand.u32 $0x380, s16;
	(v2sf) =	vpush v2, $0x9;
	v4 =	vld [tilespmem:s6+$0x0]  }
0x78: {  	s26 =	sand.u32 $0x70, s16;
	s4 =	sadd.s32 s25, s21;
	[tilespmem:s11+$0x0] =	vst.add.f32.msk $0xffff, v3  }
0x79: {  	s10 =	sadd.s32 s26, s4;
	v3 =	vld [tilespmem:s20+$0xFFFFFF70]  }
0x7a: {  	v5 =	vld [tilespmem:s10+$0x0];
	s11 =	spop (v2sf)  }
0x7b: {  	[tilespmem:s11+$0x0] =	vst.add.f32.msk $0xffff, v1  }
0x7c: {  	v6 =	vld [tilespmem:s20+$0x80]  }
0x7d: {  	(v2sf) =	vpush v2, $0xA  }
0x7e: {  	[tilespmem:s12+$0x0] =	vst.add.f32.msk $0xffff, v3;
	v3 =	vshll.u32 v4, $0x4  }
0x7f: {  	v4 =	vld [tilespmem:s20+$0xFFFFFF80];
	(v2sf) =	vpush v3, $0x0  }
0x80: {  	s12 =	spop (v2sf);
	v1 =	vshll.u32 v5, $0x4;
	(v2sf) =	vpush v3, $0x1  }
0x81: {  	(v2sf) =	vpush v1, $0x0;
	[tilespmem:s12+$0x0] =	vst.add.f32.msk $0xffff, v6  }
0x82: {  	(v2sf) =	vpush v3, $0x2;
	v5 =	vld [tilespmem:s20+$0x90]  }
0x83: {  	(v2sf) =	vpush v2, $0xB  }
0x84: {  	[tilespmem:s5+$0x0] =	vst.add.f32.msk $0xffff, v4;
	(v2sf) =	vpush v3, $0x3  }
0x85: {  	v4 =	vld [tilespmem:s20+$0xFFFFFF90];
	(v2sf) =	vpush v3, $0x4  }
0x86: {  	s14 =	spop (v2sf);
	(v2sf) =	vpush v3, $0x5  }
0x87: {  	(v2sf) =	vpush v1, $0x1;
	[tilespmem:s14+$0x0] =	vst.add.f32.msk $0xffff, v5  }
0x88: {  	(v2sf) =	vpush v3, $0x6;
	v5 =	vld [tilespmem:s20+$0xA0]  }
0x89: {  	(v2sf) =	vpush v2, $0xC  }
0x8a: {  	[tilespmem:s2+$0x0] =	vst.add.f32.msk $0xffff, v4;
	(v2sf) =	vpush v3, $0x7  }
0x8b: {  	s25 =	simm.s32 $0xC300;
	v4 =	vld [tilespmem:s20+$0xFFFFFFA0];
	(v2sf) =	vpush v3, $0x8  }
0x8c: {  	v62 =	vld [tilespmem:s25+$0x0];
	s16 =	spop (v2sf);
	(v2sf) =	vpush v3, $0x9  }
0x8d: {  	(v2sf) =	vpush v1, $0x2;
	[tilespmem:s16+$0x0] =	vst.add.f32.msk $0xffff, v5  }
0x8e: {  	s26 =	spop (v2sf);
	(v2sf) =	vpush v3, $0xA;
	v5 =	vld [tilespmem:s20+$0xB0]  }
0x8f: {  	v7 =	vld [tilespmem:s25+$0xFFFFFF00];
	s4 =	spop (v2sf);
	(v2sf) =	vpush v2, $0xD  }
0x90: {  	(v2sf) =	vpush v3, $0xB;
	s11 =	spop (v2sf);
	[tilespmem:s1+$0x0] =	vst.add.f32.msk $0xffff, v4  }
0x91: {  	[tilespmem:s11+$0x0] =	vst.add.f32.msk $0xffff, v62;
	s1 =	spop (v2sf);
	(v2sf) =	vpush v3, $0xC  }
0x92: {  	v4 =	vld [tilespmem:s25+$0x10];
	(v2sf) =	vpush v3, $0xD;
	s12 =	spop (v2sf)  }
0x93: {  	s8 =	spop (v2sf);
	(v2sf) =	vpush v1, $0x3;
	[tilespmem:s12+$0x0] =	vst.add.f32.msk $0xffff, v5  }
0x94: {  	s9 =	spop (v2sf);
	(v2sf) =	vpush v3, $0xE;
	v5 =	vld [tilespmem:s20+$0xC0]  }
0x95: {  	[tilespmem:s26+$0x0] =	vst.add.f32.msk $0xffff, v7;
	s11 =	spop (v2sf);
	(v2sf) =	vpush v2, $0xE  }
0x96: {  	v63 =	vld [tilespmem:s25+$0xFFFFFF10];
	s14 =	spop (v2sf)  }
0x97: {  	[tilespmem:s14+$0x0] =	vst.add.f32.msk $0xffff, v4;
	s6 =	spop (v2sf)  }
0x98: {  	v4 =	vld [tilespmem:s25+$0x20];
	s16 =	spop (v2sf)  }
0x99: {  	(v2sf) =	vpush v3, $0xF;
	s2 =	spop (v2sf);
	[tilespmem:s16+$0x0] =	vst.add.f32.msk $0xffff, v5  }
0x9a: {  	(v2sf) =	vpush v1, $0x4;
	s10 =	spop (v2sf);
	v3 =	vld [tilespmem:s20+$0xD0]  }
0x9b: {  	[tilespmem:s4+$0x0] =	vst.add.f32.msk $0xffff, v63;
	(v2sf) =	vpush v2, $0xF;
	s31 =	spop (v2sf)  }
0x9c: {  	v2 =	vld [tilespmem:s25+$0xFFFFFF20];
	s26 =	spop (v2sf)  }
0x9d: {  	[tilespmem:s26+$0x0] =	vst.add.f32.msk $0xffff, v4;
	s29 =	spop (v2sf)  }
0x9e: {  	v4 =	vld [tilespmem:s25+$0x30];
	s4 =	spop (v2sf)  }
0x9f: {  	s28 =	spop (v2sf);
	[tilespmem:s4+$0x0] =	vst.add.f32.msk $0xffff, v3  }
0xa0: {  	s26 =	spop (v2sf);
	v3 =	vld [tilespmem:s20+$0xE0]  }
0xa1: {  	[tilespmem:s1+$0x0] =	vst.add.f32.msk $0xffff, v2;
	(v2sf) =	vpush v1, $0x5;
	s5 =	spop (v2sf)  }
0xa2: {  	v2 =	vld [tilespmem:s25+$0xFFFFFF30];
	s12 =	spop (v2sf)  }
0xa3: {  	[tilespmem:s12+$0x0] =	vst.add.f32.msk $0xffff, v4;
	s12 =	spop (v2sf)  }
0xa4: {  	v4 =	vld [tilespmem:s25+$0x40];
	s14 =	spop (v2sf)  }
0xa5: {  	[tilespmem:s14+$0x0] =	vst.add.f32.msk $0xffff, v3  }
0xa6: {  	v3 =	vld [tilespmem:s20+$0xF0]  }
0xa7: {  	(v2sf) =	vpush v1, $0x6;
	[tilespmem:s8+$0x0] =	vst.add.f32.msk $0xffff, v2  }
0xa8: {  	v2 =	vld [tilespmem:s25+$0xFFFFFF40];
	s1 =	spop (v2sf)  }
0xa9: {  	v5 =	vld [tilespmem:s20+$0xFFFFFFB0];
	s16 =	spop (v2sf)  }
0xaa: {  	s4 =	spop (v2sf);
	[tilespmem:s16+$0x0] =	vst.add.f32.msk $0xffff, v4  }
0xab: {  	[tilespmem:s4+$0x0] =	vst.add.f32.msk $0xffff, v3  }
0xac: {  	v3 =	vld [tilespmem:s25+$0x50]  }
0xad: {  	(v2sf) =	vpush v1, $0x7;
	[tilespmem:s9+$0x0] =	vst.add.f32.msk $0xffff, v2  }
0xae: {  	v2 =	vld [tilespmem:s25+$0xFFFFFF50]  }
0xaf: {  	[tilespmem:s30+$0x0] =	vst.add.f32.msk $0xffff, v5  }
0xb0: {  	v4 =	vld [tilespmem:s20+$0xFFFFFFC0];
	s14 =	spop (v2sf)  }
0xb1: {  	[tilespmem:s14+$0x0] =	vst.add.f32.msk $0xffff, v3  }
0xb2: {  	v5 =	vld [tilespmem:s25+$0x60]  }
0xb3: {  	[tilespmem:s11+$0x0] =	vst.add.f32.msk $0xffff, v2;
	(v2sf) =	vpush v1, $0x8  }
0xb4: {  	v3 =	vld [tilespmem:s25+$0xFFFFFF60]  }
0xb5: {  	[tilespmem:s0+$0x0] =	vst.add.f32.msk $0xffff, v4  }
0xb6: {  	v2 =	vld [tilespmem:s20+$0xFFFFFFD0];
	s16 =	spop (v2sf)  }
0xb7: {  	s30 =	simm.s32 $0x2;
	s0 =	simm.s32 $0x40;
	[tilespmem:s16+$0x0] =	vst.add.f32.msk $0xffff, v5  }
.LBB2_5:
0xb8: {  	s8 =	sand.u32 $0x380, s0;
	s9 =	sand.u32 $0x60, s0;
	s11 =	sadd.s32 $0x10, s0;
	v4 =	vld [tilespmem:s25+$0x70]  }
0xb9: {  	s8 =	sadd.s32 s8, s21;
	s16 =	sand.u32 $0x380, s11;
	[tilespmem:s6+$0x0] =	vst.add.f32.msk $0xffff, v3;
	(v2sf) =	vpush v1, $0x9  }
0xba: {  	s6 =	sadd.s32 s9, s8;
	s8 =	sand.u32 $0x70, s11;
	s9 =	sadd.s32 s16, s21;
	v3 =	vld [tilespmem:s25+$0xFFFFFF70]  }
0xbb: {  	s30 =	sadd.s32 $0x2, s30;
	v5 =	vld [tilespmem:s6+$0x0];
	s6 =	sadd.s32 s8, s9  }
0xbc: {  	p0 =	slt.u32 s30, $0x3E;
	v6 =	vld [tilespmem:s6+$0x0];
	s6 =	spop (v2sf)  }
0xbd: {  	[tilespmem:s6+$0x0] =	vst.add.f32.msk $0xffff, v4  }
0xbe: {  	v4 =	vld [tilespmem:s25+$0x80]  }
0xbf: {  	[tilespmem:s2+$0x0] =	vst.add.f32.msk $0xffff, v3;
	(v2sf) =	vpush v1, $0xA  }
0xc0: {  	v3 =	vshll.u32 v5, $0x4;
	v5 =	vld [tilespmem:s25+$0xFFFFFF80]  }
0xc1: {  	(v2sf) =	vpush v3, $0x0;
	[tilespmem:s24+$0x0] =	vst.add.f32.msk $0xffff, v2;
	s24 =	smov.u32 s5  }
0xc2: {  	v2 =	vshll.u32 v6, $0x4;
	(v2sf) =	vpush v3, $0x1;
	s2 =	spop (v2sf);
	v6 =	vld [tilespmem:s20+$0xFFFFFFE0]  }
0xc3: {  	(v2sf) =	vpush v2, $0x0;
	[tilespmem:s2+$0x0] =	vst.add.f32.msk $0xffff, v4  }
0xc4: {  	(v2sf) =	vpush v3, $0x2;
	v4 =	vld [tilespmem:s25+$0x90]  }
0xc5: {  	[tilespmem:s10+$0x0] =	vst.add.f32.msk $0xffff, v5;
	(v2sf) =	vpush v1, $0xB  }
0xc6: {  	(v2sf) =	vpush v3, $0x3;
	v5 =	vld [tilespmem:s25+$0xFFFFFF90]  }
0xc7: {  	(v2sf) =	vpush v3, $0x4;
	[tilespmem:s23+$0x0] =	vst.add.f32.msk $0xffff, v6;
	s23 =	smov.u32 s12  }
0xc8: {  	(v2sf) =	vpush v3, $0x5;
	s2 =	spop (v2sf);
	v6 =	vld [tilespmem:s20+$0xFFFFFFF0];
	s20 =	smov.u32 s25  }
0xc9: {  	(v2sf) =	vpush v2, $0x1;
	[tilespmem:s2+$0x0] =	vst.add.f32.msk $0xffff, v4  }
0xca: {  	(v2sf) =	vpush v3, $0x6;
	v4 =	vld [tilespmem:s25+$0xA0]  }
0xcb: {  	[tilespmem:s31+$0x0] =	vst.add.f32.msk $0xffff, v5;
	(v2sf) =	vpush v1, $0xC  }
0xcc: {  	(v2sf) =	vpush v3, $0x7;
	v5 =	vld [tilespmem:s25+$0xFFFFFFA0]  }
0xcd: {  	s25 =	sadd.s32 $0x200, s25;
	(v2sf) =	vpush v3, $0x8;
	[tilespmem:s22+$0x0] =	vst.add.f32.msk $0xffff, v6;
	s22 =	smov.u32 s1  }
0xce: {  	v6 =	vld [tilespmem:s25+$0x0];
	(v2sf) =	vpush v3, $0x9;
	s1 =	spop (v2sf)  }
0xcf: {  	(v2sf) =	vpush v2, $0x2;
	[tilespmem:s1+$0x0] =	vst.add.f32.msk $0xffff, v4  }
0xd0: {  	s1 =	spop (v2sf);
	(v2sf) =	vpush v3, $0xA;
	v4 =	vld [tilespmem:s20+$0xB0]  }
0xd1: {  	v7 =	vld [tilespmem:s25+$0xFFFFFF00];
	s5 =	spop (v2sf);
	(v2sf) =	vpush v1, $0xD  }
0xd2: {  	(v2sf) =	vpush v3, $0xB;
	s2 =	spop (v2sf);
	[tilespmem:s29+$0x0] =	vst.add.f32.msk $0xffff, v5  }
0xd3: {  	[tilespmem:s2+$0x0] =	vst.add.f32.msk $0xffff, v6;
	s12 =	spop (v2sf);
	(v2sf) =	vpush v3, $0xC  }
0xd4: {  	v5 =	vld [tilespmem:s25+$0x10];
	(v2sf) =	vpush v3, $0xD;
	s2 =	spop (v2sf)  }
0xd5: {  	s11 =	spop (v2sf);
	(v2sf) =	vpush v2, $0x3;
	[tilespmem:s2+$0x0] =	vst.add.f32.msk $0xffff, v4  }
0xd6: {  	s9 =	spop (v2sf);
	(v2sf) =	vpush v3, $0xE;
	v4 =	vld [tilespmem:s20+$0xC0]  }
0xd7: {  	[tilespmem:s1+$0x0] =	vst.add.f32.msk $0xffff, v7;
	s8 =	spop (v2sf);
	(v2sf) =	vpush v1, $0xE  }
0xd8: {  	v6 =	vld [tilespmem:s25+$0xFFFFFF10];
	(v2sf) =	vpush v3, $0xF;
	s1 =	spop (v2sf)  }
0xd9: {  	[tilespmem:s1+$0x0] =	vst.add.f32.msk $0xffff, v5;
	s6 =	spop (v2sf)  }
0xda: {  	v3 =	vld [tilespmem:s25+$0x20];
	s1 =	spop (v2sf)  }
0xdb: {  	s2 =	spop (v2sf);
	[tilespmem:s1+$0x0] =	vst.add.f32.msk $0xffff, v4  }
0xdc: {  	s10 =	spop (v2sf);
	(v2sf) =	vpush v2, $0x4;
	v4 =	vld [tilespmem:s20+$0xD0]  }
0xdd: {  	[tilespmem:s5+$0x0] =	vst.add.f32.msk $0xffff, v6;
	s31 =	spop (v2sf);
	(v2sf) =	vpush v1, $0xF;
	v1 =	vmov v2  }
0xde: {  	v2 =	vld [tilespmem:s25+$0xFFFFFF20];
	s1 =	spop (v2sf)  }
0xdf: {  	[tilespmem:s1+$0x0] =	vst.add.f32.msk $0xffff, v3;
	s29 =	spop (v2sf)  }
0xe0: {  	v3 =	vld [tilespmem:s25+$0x30];
	s1 =	spop (v2sf)  }
0xe1: {  	s16 =	spop (v2sf);
	[tilespmem:s1+$0x0] =	vst.add.f32.msk $0xffff, v4  }
0xe2: {  	s14 =	spop (v2sf);
	v4 =	vld [tilespmem:s20+$0xE0]  }
0xe3: {  	[tilespmem:s12+$0x0] =	vst.add.f32.msk $0xffff, v2;
	s5 =	spop (v2sf);
	(v2sf) =	vpush v1, $0x5  }
0xe4: {  	v2 =	vld [tilespmem:s25+$0xFFFFFF30];
	s1 =	spop (v2sf)  }
0xe5: {  	[tilespmem:s1+$0x0] =	vst.add.f32.msk $0xffff, v3;
	s12 =	spop (v2sf)  }
0xe6: {  	v3 =	vld [tilespmem:s25+$0x40];
	s4 =	spop (v2sf)  }
0xe7: {  	s1 =	spop (v2sf);
	[tilespmem:s4+$0x0] =	vst.add.f32.msk $0xffff, v4  }
0xe8: {  	v4 =	vld [tilespmem:s20+$0xF0]  }
0xe9: {  	[tilespmem:s11+$0x0] =	vst.add.f32.msk $0xffff, v2;
	(v2sf) =	vpush v1, $0x6  }
0xea: {  	v2 =	vld [tilespmem:s25+$0xFFFFFF40]  }
0xeb: {  	s4 =	spop (v2sf);
	v5 =	vld [tilespmem:s20+$0xFFFFFFB0]  }
0xec: {  	[tilespmem:s4+$0x0] =	vst.add.f32.msk $0xffff, v3;
	s4 =	spop (v2sf)  }
0xed: {  	[tilespmem:s4+$0x0] =	vst.add.f32.msk $0xffff, v4  }
0xee: {  	v3 =	vld [tilespmem:s25+$0x50]  }
0xef: {  	[tilespmem:s9+$0x0] =	vst.add.f32.msk $0xffff, v2;
	(v2sf) =	vpush v1, $0x7  }
0xf0: {  	v2 =	vld [tilespmem:s25+$0xFFFFFF50]  }
0xf1: {  	[tilespmem:s28+$0x0] =	vst.add.f32.msk $0xffff, v5;
	s28 =	smov.u32 s16  }
0xf2: {  	s4 =	spop (v2sf);
	v4 =	vld [tilespmem:s20+$0xFFFFFFC0]  }
0xf3: {  	[tilespmem:s4+$0x0] =	vst.add.f32.msk $0xffff, v3  }
0xf4: {  	v5 =	vld [tilespmem:s25+$0x60]  }
.Ltmp3:
0xf5: {  	[tilespmem:s8+$0x0] =	vst.add.f32.msk $0xffff, v2;
	(v2sf) =	vpush v1, $0x8;
	(pc) =	sbr.rel @p0 .LBB2_5-.Ltmp3, $4  }
0xf6: {  	v3 =	vld [tilespmem:s25+$0xFFFFFF60]  }
0xf7: {  	[tilespmem:s26+$0x0] =	vst.add.f32.msk $0xffff, v4;
	s26 =	smov.u32 s14  }
0xf8: {  	s4 =	spop (v2sf);
	v2 =	vld [tilespmem:s20+$0xFFFFFFD0]  }
0xf9: {  	s0 =	sadd.s32 $0x20, s0;
	[tilespmem:s4+$0x0] =	vst.add.f32.msk $0xffff, v5  }
0xfa: {  	v4 =	vld [tilespmem:s25+$0x70]  }
0xfb: {  	(v2sf) =	vpush v1, $0x9;
	[tilespmem:s6+$0x0] =	vst.add.f32.msk $0xffff, v3  }
0xfc: {  	v3 =	vld [tilespmem:s25+$0xFFFFFF70];
	_ =	sdelay $0x1  }
0xfd: {  	s0 =	spop (v2sf)  }
0xfe: {  	[tilespmem:s0+$0x0] =	vst.add.f32.msk $0xffff, v4  }
0xff: {  	v4 =	vld [tilespmem:s25+$0x80]  }
0x100: {  	(v2sf) =	vpush v1, $0xA;
	[tilespmem:s2+$0x0] =	vst.add.f32.msk $0xffff, v3  }
0x101: {  	v3 =	vld [tilespmem:s25+$0xFFFFFF80];
	_ =	sdelay $0x1  }
0x102: {  	s11 =	spop (v2sf)  }
0x103: {  	[tilespmem:s11+$0x0] =	vst.add.f32.msk $0xffff, v4  }
0x104: {  	v4 =	vld [tilespmem:s25+$0x90]  }
0x105: {  	(v2sf) =	vpush v1, $0xB;
	[tilespmem:s10+$0x0] =	vst.add.f32.msk $0xffff, v3  }
0x106: {  	v3 =	vld [tilespmem:s25+$0xFFFFFF90];
	_ =	sdelay $0x1  }
0x107: {  	s14 =	spop (v2sf)  }
0x108: {  	[tilespmem:s14+$0x0] =	vst.add.f32.msk $0xffff, v4  }
0x109: {  	v4 =	vld [tilespmem:s25+$0xA0]  }
0x10a: {  	(v2sf) =	vpush v1, $0xC;
	[tilespmem:s31+$0x0] =	vst.add.f32.msk $0xffff, v3  }
0x10b: {  	v3 =	vld [tilespmem:s25+$0xFFFFFFA0];
	_ =	sdelay $0x1  }
0x10c: {  	s16 =	spop (v2sf)  }
0x10d: {  	[tilespmem:s16+$0x0] =	vst.add.f32.msk $0xffff, v4  }
0x10e: {  	v4 =	vld [tilespmem:s25+$0xB0]  }
0x10f: {  	(v2sf) =	vpush v1, $0xD;
	[tilespmem:s29+$0x0] =	vst.add.f32.msk $0xffff, v3  }
0x110: {  	v3 =	vld [tilespmem:s25+$0xFFFFFFB0];
	_ =	sdelay $0x1  }
0x111: {  	s21 =	spop (v2sf)  }
0x112: {  	[tilespmem:s21+$0x0] =	vst.add.f32.msk $0xffff, v4  }
0x113: {  	v4 =	vld [tilespmem:s25+$0xC0]  }
0x114: {  	(v2sf) =	vpush v1, $0xE;
	[tilespmem:s28+$0x0] =	vst.add.f32.msk $0xffff, v3  }
0x115: {  	v3 =	vld [tilespmem:s25+$0xFFFFFFC0];
	_ =	sdelay $0x1  }
0x116: {  	s31 =	spop (v2sf)  }
0x117: {  	[tilespmem:s31+$0x0] =	vst.add.f32.msk $0xffff, v4  }
0x118: {  	v4 =	vld [tilespmem:s25+$0xD0]  }
0x119: {  	[tilespmem:s26+$0x0] =	vst.add.f32.msk $0xffff, v3  }
0x11a: {  	(v2sf) =	vpush v1, $0xF;
	v1 =	vld [tilespmem:s25+$0xFFFFFFD0]  }
0x11b: {  	[tilespmem:s24+$0x0] =	vst.add.f32.msk $0xffff, v2  }
0x11c: {  	v2 =	vld [tilespmem:s20+$0xFFFFFFE0];
	s2 =	spop (v2sf)  }
0x11d: {  	[tilespmem:s2+$0x0] =	vst.add.f32.msk $0xffff, v4  }
0x11e: {  	v3 =	vld [tilespmem:s25+$0xE0]  }
0x11f: {  	[tilespmem:s5+$0x0] =	vst.add.f32.msk $0xffff, v1  }
0x120: {  	v1 =	vld [tilespmem:s25+$0xFFFFFFE0]  }
0x121: {  	[tilespmem:s23+$0x0] =	vst.add.f32.msk $0xffff, v2  }
0x122: {  	v2 =	vld [tilespmem:s20+$0xFFFFFFF0];
	s4 =	spop (v2sf)  }
0x123: {  	[tilespmem:s4+$0x0] =	vst.add.f32.msk $0xffff, v3  }
0x124: {  	v3 =	vld [tilespmem:s25+$0xF0]  }
0x125: {  	[tilespmem:s12+$0x0] =	vst.add.f32.msk $0xffff, v1  }
0x126: {  	v1 =	vld [tilespmem:s25+$0xFFFFFFF0];
	_ =	sdelay $0x2  }
0x127: {  	[tilespmem:s22+$0x0] =	vst.add.f32.msk $0xffff, v2;
	s5 =	spop (v2sf)  }
0x128: {  	[tilespmem:s5+$0x0] =	vst.add.f32.msk $0xffff, v3  }
0x129: {  	[tilespmem:s1+$0x0] =	vst.add.f32.msk $0xffff, v1  }
0x12a: {  	p0 =	seq.s32 s18, $0xF;
	_ =	swait.ge [sflag:s15], $0x4000  }
0x12b: {  	s0 =	sshll.u32 @!p0 s18, $0xF;
	s1 =	rddreg [dreg:$0x5]  }
0x12c: {  	s6 =	sshll.u32 s19, $0xA;
	s0 =	sadd.s32 @!p0 s0, s1  }
0x12d: {  	s2 =	simm.s32 @!p0 $0xC000;
	[sflag:s15] =	ssyncset.done $0x0;
	s0 =	sshrl.u32 @!p0 s0, $0x3  }
0x12e: {  	[sflag:s15] =	ssyncadd.s32 $0xFFFFC000;
	s1 =	simm.s32 @!p0 $0x0;
	s0 =	sadd.s32 @!p0 s3, s0  }
0x12f: {  	[tilespmem:s2], [sflag:$0x1] =	stream.linear.gather @!p0 [hbm4b:s0+s1], $0x4000, $0x38;
	[tilespmem:$0x14000] =	vst v63  }
0x130: {  	s8 =	simm.s32 $0x10;
	s0 =	sand.u32 $0x3FFFFC00, s6  }
0x131: {  	s9 =	sand.u32 $0x380, s8;
	s20 =	sadd.s32 $0x4000, s0  }
0x132: {  	s10 =	simm.s32 $0x0;
	s1 =	sand.u32 $0x70, s8;
	s0 =	sadd.s32 s9, s20  }
0x133: {  	s4 =	sand.u32 $0x380, s10;
	s0 =	sadd.s32 s1, s0  }
0x134: {  	s11 =	sand.u32 $0x60, s10;
	s12 =	sadd.s32 s4, s20;
	v1 =	vld [tilespmem:s0+$0x0]  }
0x135: {  	s14 =	sadd.s32 s11, s12  }
0x136: {  	v2 =	vld [tilespmem:s14+$0x0];
	_ =	sdelay $0x2  }
0x137: {  	v1 =	vshll.u32 v1, $0x4  }
0x138: {  	(v2sf) =	vpush v1, $0x0  }
0x139: {  	v2 =	vshll.u32 v2, $0x4;
	(v2sf) =	vpush v1, $0x1  }
0x13a: {  	(v2sf) =	vpush v2, $0x0;
	_ =	sdelay $0x1  }
0x13b: {  	(v2sf) =	vpush v1, $0x2  }
0x13c: {  	(v2sf) =	vpush v1, $0x3  }
0x13d: {  	(v2sf) =	vpush v1, $0x4  }
0x13e: {  	(v2sf) =	vpush v1, $0x5  }
0x13f: {  	(v2sf) =	vpush v2, $0x1;
	_ =	sdelay $0x1  }
0x140: {  	(v2sf) =	vpush v1, $0x6  }
0x141: {  	(v2sf) =	vpush v1, $0x7  }
0x142: {  	s19 =	simm.s32 $0x101F0;
	(v2sf) =	vpush v1, $0x8  }
0x143: {  	v3 =	vld [tilespmem:s19+$0xFFFFFE10];
	(v2sf) =	vpush v1, $0x9  }
0x144: {  	(v2sf) =	vpush v2, $0x2  }
0x145: {  	s16 =	spop (v2sf)  }
0x146: {  	v4 =	vld [tilespmem:s19+$0xFFFFFF10];
	(v2sf) =	vpush v1, $0xA;
	s21 =	spop (v2sf)  }
0x147: {  	(v2sf) =	vpush v1, $0xB;
	s22 =	spop (v2sf)  }
0x148: {  	(v2sf) =	vpush v1, $0xC;
	[tilespmem:s22+$0x0] =	vst.add.f32.msk $0xffff, v3  }
0x149: {  	(v2sf) =	vpush v1, $0xD;
	s23 =	spop (v2sf);
	v3 =	vld [tilespmem:s19+$0xFFFFFE20]  }
0x14a: {  	(v2sf) =	vpush v2, $0x3;
	s24 =	spop (v2sf)  }
0x14b: {  	[tilespmem:s16+$0x0] =	vst.add.f32.msk $0xffff, v4;
	s8 =	spop (v2sf)  }
0x14c: {  	v4 =	vld [tilespmem:s19+$0xFFFFFF20];
	s9 =	spop (v2sf)  }
0x14d: {  	s25 =	spop (v2sf)  }
0x14e: {  	(v2sf) =	vpush v1, $0xE;
	[tilespmem:s25+$0x0] =	vst.add.f32.msk $0xffff, v3  }
0x14f: {  	(v2sf) =	vpush v1, $0xF;
	s10 =	spop (v2sf);
	v1 =	vld [tilespmem:s19+$0xFFFFFE30]  }
0x150: {  	s11 =	spop (v2sf);
	(v2sf) =	vpush v2, $0x4  }
0x151: {  	[tilespmem:s21+$0x0] =	vst.add.f32.msk $0xffff, v4;
	s5 =	spop (v2sf)  }
0x152: {  	v3 =	vld [tilespmem:s19+$0xFFFFFF30];
	s2 =	spop (v2sf)  }
0x153: {  	s26 =	spop (v2sf)  }
0x154: {  	[tilespmem:s26+$0x0] =	vst.add.f32.msk $0xffff, v1  }
0x155: {  	s1 =	spop (v2sf);
	v1 =	vld [tilespmem:s19+$0xFFFFFE40]  }
0x156: {  	(v2sf) =	vpush v2, $0x5;
	s29 =	spop (v2sf)  }
0x157: {  	[tilespmem:s23+$0x0] =	vst.add.f32.msk $0xffff, v3;
	s0 =	spop (v2sf)  }
0x158: {  	v3 =	vld [tilespmem:s19+$0xFFFFFF40];
	s23 =	spop (v2sf)  }
0x159: {  	s31 =	spop (v2sf)  }
0x15a: {  	[tilespmem:s31+$0x0] =	vst.add.f32.msk $0xffff, v1  }
0x15b: {  	v1 =	vld [tilespmem:s19+$0xFFFFFE50]  }
0x15c: {  	(v2sf) =	vpush v2, $0x6  }
0x15d: {  	[tilespmem:s24+$0x0] =	vst.add.f32.msk $0xffff, v3;
	s22 =	spop (v2sf)  }
0x15e: {  	v3 =	vld [tilespmem:s19+$0xFFFFFF50];
	s21 =	spop (v2sf)  }
0x15f: {  	s12 =	spop (v2sf)  }
0x160: {  	[tilespmem:s12+$0x0] =	vst.add.f32.msk $0xffff, v1  }
0x161: {  	v1 =	vld [tilespmem:s19+$0xFFFFFE60]  }
0x162: {  	(v2sf) =	vpush v2, $0x7  }
0x163: {  	[tilespmem:s8+$0x0] =	vst.add.f32.msk $0xffff, v3  }
0x164: {  	v3 =	vld [tilespmem:s19+$0xFFFFFF60]  }
0x165: {  	s14 =	spop (v2sf)  }
0x166: {  	[tilespmem:s14+$0x0] =	vst.add.f32.msk $0xffff, v1  }
0x167: {  	v1 =	vld [tilespmem:s19+$0xFFFFFE70]  }
0x168: {  	(v2sf) =	vpush v2, $0x8  }
0x169: {  	[tilespmem:s9+$0x0] =	vst.add.f32.msk $0xffff, v3  }
0x16a: {  	s24 =	simm.s32 $0x30;
	v3 =	vld [tilespmem:s19+$0xFFFFFF70]  }
0x16b: {  	s26 =	sand.u32 $0x380, s24;
	s16 =	spop (v2sf)  }
0x16c: {  	s4 =	sand.u32 $0x70, s24;
	s8 =	sadd.s32 s26, s20;
	[tilespmem:s16+$0x0] =	vst.add.f32.msk $0xffff, v1  }
0x16d: {  	s25 =	simm.s32 $0x20;
	s4 =	sadd.s32 s4, s8;
	v1 =	vld [tilespmem:s19+$0xFFFFFE80]  }
0x16e: {  	(v2sf) =	vpush v2, $0x9;
	s31 =	sand.u32 $0x380, s25;
	v4 =	vld [tilespmem:s4+$0x0]  }
0x16f: {  	s6 =	sand.u32 $0x60, s25;
	s9 =	sadd.s32 s31, s20;
	[tilespmem:s10+$0x0] =	vst.add.f32.msk $0xffff, v3  }
0x170: {  	s6 =	sadd.s32 s6, s9;
	v3 =	vld [tilespmem:s19+$0xFFFFFF80]  }
0x171: {  	v5 =	vld [tilespmem:s6+$0x0];
	s10 =	spop (v2sf)  }
0x172: {  	[tilespmem:s10+$0x0] =	vst.add.f32.msk $0xffff, v1  }
0x173: {  	v6 =	vld [tilespmem:s19+$0xFFFFFE90]  }
0x174: {  	(v2sf) =	vpush v2, $0xA  }
0x175: {  	[tilespmem:s11+$0x0] =	vst.add.f32.msk $0xffff, v3;
	v3 =	vshll.u32 v4, $0x4  }
0x176: {  	v4 =	vld [tilespmem:s19+$0xFFFFFF90];
	(v2sf) =	vpush v3, $0x0  }
0x177: {  	s11 =	spop (v2sf);
	v1 =	vshll.u32 v5, $0x4;
	(v2sf) =	vpush v3, $0x1  }
0x178: {  	(v2sf) =	vpush v1, $0x0;
	[tilespmem:s11+$0x0] =	vst.add.f32.msk $0xffff, v6  }
0x179: {  	(v2sf) =	vpush v3, $0x2;
	v5 =	vld [tilespmem:s19+$0xFFFFFEA0]  }
0x17a: {  	(v2sf) =	vpush v2, $0xB  }
0x17b: {  	[tilespmem:s5+$0x0] =	vst.add.f32.msk $0xffff, v4;
	(v2sf) =	vpush v3, $0x3  }
0x17c: {  	v4 =	vld [tilespmem:s19+$0xFFFFFFA0];
	(v2sf) =	vpush v3, $0x4  }
0x17d: {  	s12 =	spop (v2sf);
	(v2sf) =	vpush v3, $0x5  }
0x17e: {  	(v2sf) =	vpush v1, $0x1;
	[tilespmem:s12+$0x0] =	vst.add.f32.msk $0xffff, v5  }
0x17f: {  	(v2sf) =	vpush v3, $0x6;
	v5 =	vld [tilespmem:s19+$0xFFFFFEB0]  }
0x180: {  	(v2sf) =	vpush v2, $0xC  }
0x181: {  	[tilespmem:s2+$0x0] =	vst.add.f32.msk $0xffff, v4;
	(v2sf) =	vpush v3, $0x7  }
0x182: {  	s24 =	simm.s32 $0x103F0;
	v4 =	vld [tilespmem:s19+$0xFFFFFFB0];
	(v2sf) =	vpush v3, $0x8  }
0x183: {  	v62 =	vld [tilespmem:s24+$0xFFFFFE10];
	s14 =	spop (v2sf);
	(v2sf) =	vpush v3, $0x9  }
0x184: {  	(v2sf) =	vpush v1, $0x2;
	[tilespmem:s14+$0x0] =	vst.add.f32.msk $0xffff, v5  }
0x185: {  	s16 =	spop (v2sf);
	(v2sf) =	vpush v3, $0xA;
	v5 =	vld [tilespmem:s19+$0xFFFFFEC0]  }
0x186: {  	v7 =	vld [tilespmem:s24+$0xFFFFFF10];
	s25 =	spop (v2sf);
	(v2sf) =	vpush v2, $0xD  }
0x187: {  	s26 =	spop (v2sf);
	(v2sf) =	vpush v3, $0xB;
	[tilespmem:s1+$0x0] =	vst.add.f32.msk $0xffff, v4  }
0x188: {  	[tilespmem:s26+$0x0] =	vst.add.f32.msk $0xffff, v62;
	s31 =	spop (v2sf);
	(v2sf) =	vpush v3, $0xC  }
0x189: {  	v4 =	vld [tilespmem:s24+$0xFFFFFE20];
	(v2sf) =	vpush v3, $0xD;
	s11 =	spop (v2sf)  }
0x18a: {  	(v2sf) =	vpush v1, $0x3;
	s8 =	spop (v2sf);
	[tilespmem:s11+$0x0] =	vst.add.f32.msk $0xffff, v5  }
0x18b: {  	s9 =	spop (v2sf);
	(v2sf) =	vpush v3, $0xE;
	v5 =	vld [tilespmem:s19+$0xFFFFFED0]  }
0x18c: {  	[tilespmem:s16+$0x0] =	vst.add.f32.msk $0xffff, v7;
	(v2sf) =	vpush v2, $0xE;
	s11 =	spop (v2sf)  }
0x18d: {  	v63 =	vld [tilespmem:s24+$0xFFFFFF20];
	s12 =	spop (v2sf)  }
0x18e: {  	[tilespmem:s12+$0x0] =	vst.add.f32.msk $0xffff, v4;
	s6 =	spop (v2sf)  }
0x18f: {  	v4 =	vld [tilespmem:s24+$0xFFFFFE30];
	s14 =	spop (v2sf)  }
0x190: {  	(v2sf) =	vpush v3, $0xF;
	s2 =	spop (v2sf);
	[tilespmem:s14+$0x0] =	vst.add.f32.msk $0xffff, v5  }
0x191: {  	(v2sf) =	vpush v1, $0x4;
	s10 =	spop (v2sf);
	v3 =	vld [tilespmem:s19+$0xFFFFFEE0]  }
0x192: {  	[tilespmem:s25+$0x0] =	vst.add.f32.msk $0xffff, v63;
	(v2sf) =	vpush v2, $0xF;
	s30 =	spop (v2sf)  }
0x193: {  	v2 =	vld [tilespmem:s24+$0xFFFFFF30];
	s16 =	spop (v2sf)  }
0x194: {  	[tilespmem:s16+$0x0] =	vst.add.f32.msk $0xffff, v4;
	s28 =	spop (v2sf)  }
0x195: {  	v4 =	vld [tilespmem:s24+$0xFFFFFE40];
	s25 =	spop (v2sf)  }
0x196: {  	s26 =	spop (v2sf);
	[tilespmem:s25+$0x0] =	vst.add.f32.msk $0xffff, v3  }
0x197: {  	s25 =	spop (v2sf);
	v3 =	vld [tilespmem:s19+$0xFFFFFEF0]  }
0x198: {  	[tilespmem:s31+$0x0] =	vst.add.f32.msk $0xffff, v2;
	(v2sf) =	vpush v1, $0x5;
	s5 =	spop (v2sf)  }
0x199: {  	v2 =	vld [tilespmem:s24+$0xFFFFFF40];
	s31 =	spop (v2sf)  }
0x19a: {  	[tilespmem:s31+$0x0] =	vst.add.f32.msk $0xffff, v4;
	s12 =	spop (v2sf)  }
0x19b: {  	v4 =	vld [tilespmem:s24+$0xFFFFFE50];
	s4 =	spop (v2sf)  }
0x19c: {  	[tilespmem:s4+$0x0] =	vst.add.f32.msk $0xffff, v3  }
0x19d: {  	v3 =	vld [tilespmem:s19+$0xFFFFFF00]  }
0x19e: {  	(v2sf) =	vpush v1, $0x6;
	[tilespmem:s8+$0x0] =	vst.add.f32.msk $0xffff, v2  }
0x19f: {  	v2 =	vld [tilespmem:s24+$0xFFFFFF50];
	s1 =	spop (v2sf)  }
0x1a0: {  	v5 =	vld [tilespmem:s19+$0xFFFFFFC0];
	s8 =	spop (v2sf)  }
0x1a1: {  	s14 =	spop (v2sf);
	[tilespmem:s8+$0x0] =	vst.add.f32.msk $0xffff, v4  }
0x1a2: {  	[tilespmem:s14+$0x0] =	vst.add.f32.msk $0xffff, v3  }
0x1a3: {  	v3 =	vld [tilespmem:s24+$0xFFFFFE60]  }
0x1a4: {  	(v2sf) =	vpush v1, $0x7;
	[tilespmem:s9+$0x0] =	vst.add.f32.msk $0xffff, v2  }
0x1a5: {  	v2 =	vld [tilespmem:s24+$0xFFFFFF60]  }
0x1a6: {  	[tilespmem:s29+$0x0] =	vst.add.f32.msk $0xffff, v5  }
0x1a7: {  	v4 =	vld [tilespmem:s19+$0xFFFFFFD0];
	s16 =	spop (v2sf)  }
0x1a8: {  	[tilespmem:s16+$0x0] =	vst.add.f32.msk $0xffff, v3  }
0x1a9: {  	v5 =	vld [tilespmem:s24+$0xFFFFFE70]  }
0x1aa: {  	(v2sf) =	vpush v1, $0x8;
	[tilespmem:s11+$0x0] =	vst.add.f32.msk $0xffff, v2  }
0x1ab: {  	v3 =	vld [tilespmem:s24+$0xFFFFFF70]  }
0x1ac: {  	[tilespmem:s0+$0x0] =	vst.add.f32.msk $0xffff, v4  }
0x1ad: {  	s31 =	spop (v2sf);
	v2 =	vld [tilespmem:s19+$0xFFFFFFE0]  }
0x1ae: {  	s29 =	simm.s32 $0x2;
	s0 =	simm.s32 $0x50;
	[tilespmem:s31+$0x0] =	vst.add.f32.msk $0xffff, v5  }
.LBB2_7:
0x1af: {  	s4 =	sadd.s32 $0xFFFFFFF0, s0;
	s8 =	sand.u32 $0x380, s0;
	s9 =	sand.u32 $0x70, s0;
	v4 =	vld [tilespmem:s24+$0xFFFFFE80]  }
0x1b0: {  	s11 =	sand.u32 $0x380, s4;
	s8 =	sadd.s32 s8, s20;
	[tilespmem:s6+$0x0] =	vst.add.f32.msk $0xffff, v3;
	(v2sf) =	vpush v1, $0x9  }
0x1b1: {  	s4 =	sand.u32 $0x60, s4;
	s6 =	sadd.s32 s11, s20;
	s8 =	sadd.s32 s9, s8;
	v3 =	vld [tilespmem:s24+$0xFFFFFF80]  }
0x1b2: {  	s29 =	sadd.s32 $0x2, s29;
	s4 =	sadd.s32 s4, s6;
	v5 =	vld [tilespmem:s8+$0x0]  }
0x1b3: {  	p1 =	slt.u32 s29, $0x3E;
	v6 =	vld [tilespmem:s4+$0x0];
	s4 =	spop (v2sf)  }
0x1b4: {  	[tilespmem:s4+$0x0] =	vst.add.f32.msk $0xffff, v4  }
0x1b5: {  	v4 =	vld [tilespmem:s24+$0xFFFFFE90]  }
0x1b6: {  	[tilespmem:s2+$0x0] =	vst.add.f32.msk $0xffff, v3;
	(v2sf) =	vpush v1, $0xA  }
0x1b7: {  	v3 =	vshll.u32 v5, $0x4;
	v5 =	vld [tilespmem:s24+$0xFFFFFF90]  }
0x1b8: {  	(v2sf) =	vpush v3, $0x0;
	[tilespmem:s23+$0x0] =	vst.add.f32.msk $0xffff, v2;
	s23 =	smov.u32 s5  }
0x1b9: {  	v2 =	vshll.u32 v6, $0x4;
	(v2sf) =	vpush v3, $0x1;
	s2 =	spop (v2sf);
	v6 =	vld [tilespmem:s19+$0xFFFFFFF0]  }
0x1ba: {  	(v2sf) =	vpush v2, $0x0;
	[tilespmem:s2+$0x0] =	vst.add.f32.msk $0xffff, v4  }
0x1bb: {  	(v2sf) =	vpush v3, $0x2;
	v4 =	vld [tilespmem:s24+$0xFFFFFEA0]  }
0x1bc: {  	[tilespmem:s10+$0x0] =	vst.add.f32.msk $0xffff, v5;
	(v2sf) =	vpush v1, $0xB  }
0x1bd: {  	(v2sf) =	vpush v3, $0x3;
	v5 =	vld [tilespmem:s24+$0xFFFFFFA0]  }
0x1be: {  	(v2sf) =	vpush v3, $0x4;
	[tilespmem:s22+$0x0] =	vst.add.f32.msk $0xffff, v6;
	s22 =	smov.u32 s12  }
0x1bf: {  	(v2sf) =	vpush v3, $0x5;
	s2 =	spop (v2sf);
	v6 =	vld [tilespmem:s19+$0x0];
	s19 =	smov.u32 s24  }
0x1c0: {  	(v2sf) =	vpush v2, $0x1;
	[tilespmem:s2+$0x0] =	vst.add.f32.msk $0xffff, v4  }
0x1c1: {  	(v2sf) =	vpush v3, $0x6;
	v4 =	vld [tilespmem:s24+$0xFFFFFEB0]  }
0x1c2: {  	[tilespmem:s30+$0x0] =	vst.add.f32.msk $0xffff, v5;
	(v2sf) =	vpush v1, $0xC  }
0x1c3: {  	(v2sf) =	vpush v3, $0x7;
	v5 =	vld [tilespmem:s24+$0xFFFFFFB0]  }
0x1c4: {  	s24 =	sadd.s32 $0x200, s24;
	(v2sf) =	vpush v3, $0x8;
	[tilespmem:s21+$0x0] =	vst.add.f32.msk $0xffff, v6;
	s21 =	smov.u32 s1  }
0x1c5: {  	v6 =	vld [tilespmem:s24+$0xFFFFFE10];
	(v2sf) =	vpush v3, $0x9;
	s1 =	spop (v2sf)  }
0x1c6: {  	(v2sf) =	vpush v2, $0x2;
	[tilespmem:s1+$0x0] =	vst.add.f32.msk $0xffff, v4  }
0x1c7: {  	s1 =	spop (v2sf);
	(v2sf) =	vpush v3, $0xA;
	v4 =	vld [tilespmem:s19+$0xFFFFFEC0]  }
0x1c8: {  	v7 =	vld [tilespmem:s24+$0xFFFFFF10];
	s4 =	spop (v2sf);
	(v2sf) =	vpush v1, $0xD  }
0x1c9: {  	s2 =	spop (v2sf);
	(v2sf) =	vpush v3, $0xB;
	[tilespmem:s28+$0x0] =	vst.add.f32.msk $0xffff, v5  }
0x1ca: {  	[tilespmem:s2+$0x0] =	vst.add.f32.msk $0xffff, v6;
	s5 =	spop (v2sf);
	(v2sf) =	vpush v3, $0xC  }
0x1cb: {  	v5 =	vld [tilespmem:s24+$0xFFFFFE20];
	(v2sf) =	vpush v3, $0xD;
	s2 =	spop (v2sf)  }
0x1cc: {  	(v2sf) =	vpush v2, $0x3;
	s11 =	spop (v2sf);
	[tilespmem:s2+$0x0] =	vst.add.f32.msk $0xffff, v4  }
0x1cd: {  	s9 =	spop (v2sf);
	(v2sf) =	vpush v3, $0xE;
	v4 =	vld [tilespmem:s19+$0xFFFFFED0]  }
0x1ce: {  	[tilespmem:s1+$0x0] =	vst.add.f32.msk $0xffff, v7;
	s8 =	spop (v2sf);
	(v2sf) =	vpush v1, $0xE  }
0x1cf: {  	v6 =	vld [tilespmem:s24+$0xFFFFFF20];
	s1 =	spop (v2sf);
	(v2sf) =	vpush v3, $0xF  }
0x1d0: {  	[tilespmem:s1+$0x0] =	vst.add.f32.msk $0xffff, v5;
	s6 =	spop (v2sf)  }
0x1d1: {  	v3 =	vld [tilespmem:s24+$0xFFFFFE30];
	s1 =	spop (v2sf)  }
0x1d2: {  	s2 =	spop (v2sf);
	[tilespmem:s1+$0x0] =	vst.add.f32.msk $0xffff, v4  }
0x1d3: {  	(v2sf) =	vpush v2, $0x4;
	s10 =	spop (v2sf);
	v4 =	vld [tilespmem:s19+$0xFFFFFEE0]  }
0x1d4: {  	[tilespmem:s4+$0x0] =	vst.add.f32.msk $0xffff, v6;
	s30 =	spop (v2sf);
	(v2sf) =	vpush v1, $0xF;
	v1 =	vmov v2  }
0x1d5: {  	v2 =	vld [tilespmem:s24+$0xFFFFFF30];
	s1 =	spop (v2sf)  }
0x1d6: {  	[tilespmem:s1+$0x0] =	vst.add.f32.msk $0xffff, v3;
	s28 =	spop (v2sf)  }
0x1d7: {  	v3 =	vld [tilespmem:s24+$0xFFFFFE40];
	s1 =	spop (v2sf)  }
0x1d8: {  	s4 =	spop (v2sf);
	[tilespmem:s1+$0x0] =	vst.add.f32.msk $0xffff, v4  }
0x1d9: {  	s14 =	spop (v2sf);
	v4 =	vld [tilespmem:s19+$0xFFFFFEF0]  }
0x1da: {  	[tilespmem:s5+$0x0] =	vst.add.f32.msk $0xffff, v2;
	(v2sf) =	vpush v1, $0x5;
	s5 =	spop (v2sf)  }
0x1db: {  	v2 =	vld [tilespmem:s24+$0xFFFFFF40];
	s1 =	spop (v2sf)  }
0x1dc: {  	[tilespmem:s1+$0x0] =	vst.add.f32.msk $0xffff, v3;
	s12 =	spop (v2sf)  }
0x1dd: {  	v3 =	vld [tilespmem:s24+$0xFFFFFE50];
	s16 =	spop (v2sf)  }
0x1de: {  	s1 =	spop (v2sf);
	[tilespmem:s16+$0x0] =	vst.add.f32.msk $0xffff, v4  }
0x1df: {  	v4 =	vld [tilespmem:s19+$0xFFFFFF00]  }
0x1e0: {  	[tilespmem:s11+$0x0] =	vst.add.f32.msk $0xffff, v2;
	(v2sf) =	vpush v1, $0x6  }
0x1e1: {  	v2 =	vld [tilespmem:s24+$0xFFFFFF50]  }
0x1e2: {  	s11 =	spop (v2sf);
	v5 =	vld [tilespmem:s19+$0xFFFFFFC0]  }
0x1e3: {  	[tilespmem:s11+$0x0] =	vst.add.f32.msk $0xffff, v3;
	s11 =	spop (v2sf)  }
0x1e4: {  	[tilespmem:s11+$0x0] =	vst.add.f32.msk $0xffff, v4  }
0x1e5: {  	v3 =	vld [tilespmem:s24+$0xFFFFFE60]  }
0x1e6: {  	[tilespmem:s9+$0x0] =	vst.add.f32.msk $0xffff, v2;
	(v2sf) =	vpush v1, $0x7  }
0x1e7: {  	v2 =	vld [tilespmem:s24+$0xFFFFFF60]  }
0x1e8: {  	[tilespmem:s26+$0x0] =	vst.add.f32.msk $0xffff, v5;
	s26 =	smov.u32 s4  }
0x1e9: {  	s4 =	spop (v2sf);
	v4 =	vld [tilespmem:s19+$0xFFFFFFD0]  }
0x1ea: {  	[tilespmem:s4+$0x0] =	vst.add.f32.msk $0xffff, v3  }
0x1eb: {  	v5 =	vld [tilespmem:s24+$0xFFFFFE70]  }
.Ltmp4:
0x1ec: {  	[tilespmem:s8+$0x0] =	vst.add.f32.msk $0xffff, v2;
	(v2sf) =	vpush v1, $0x8;
	(pc) =	sbr.rel @p1 .LBB2_7-.Ltmp4, $4  }
0x1ed: {  	v3 =	vld [tilespmem:s24+$0xFFFFFF70]  }
0x1ee: {  	[tilespmem:s25+$0x0] =	vst.add.f32.msk $0xffff, v4;
	s25 =	smov.u32 s14  }
0x1ef: {  	s4 =	spop (v2sf);
	v2 =	vld [tilespmem:s19+$0xFFFFFFE0]  }
0x1f0: {  	s0 =	sadd.s32 $0x20, s0;
	[tilespmem:s4+$0x0] =	vst.add.f32.msk $0xffff, v5  }
0x1f1: {  	v4 =	vld [tilespmem:s24+$0xFFFFFE80]  }
0x1f2: {  	(v2sf) =	vpush v1, $0x9;
	[tilespmem:s6+$0x0] =	vst.add.f32.msk $0xffff, v3  }
0x1f3: {  	v3 =	vld [tilespmem:s24+$0xFFFFFF80];
	_ =	sdelay $0x1  }
0x1f4: {  	s0 =	spop (v2sf)  }
0x1f5: {  	[tilespmem:s0+$0x0] =	vst.add.f32.msk $0xffff, v4  }
0x1f6: {  	v4 =	vld [tilespmem:s24+$0xFFFFFE90]  }
0x1f7: {  	(v2sf) =	vpush v1, $0xA;
	[tilespmem:s2+$0x0] =	vst.add.f32.msk $0xffff, v3  }
0x1f8: {  	v3 =	vld [tilespmem:s24+$0xFFFFFF90];
	_ =	sdelay $0x1  }
0x1f9: {  	s11 =	spop (v2sf)  }
0x1fa: {  	[tilespmem:s11+$0x0] =	vst.add.f32.msk $0xffff, v4  }
0x1fb: {  	v4 =	vld [tilespmem:s24+$0xFFFFFEA0]  }
0x1fc: {  	(v2sf) =	vpush v1, $0xB;
	[tilespmem:s10+$0x0] =	vst.add.f32.msk $0xffff, v3  }
0x1fd: {  	v3 =	vld [tilespmem:s24+$0xFFFFFFA0];
	_ =	sdelay $0x1  }
0x1fe: {  	s14 =	spop (v2sf)  }
0x1ff: {  	[tilespmem:s14+$0x0] =	vst.add.f32.msk $0xffff, v4  }
0x200: {  	v4 =	vld [tilespmem:s24+$0xFFFFFEB0]  }
0x201: {  	(v2sf) =	vpush v1, $0xC;
	[tilespmem:s30+$0x0] =	vst.add.f32.msk $0xffff, v3  }
0x202: {  	v3 =	vld [tilespmem:s24+$0xFFFFFFB0];
	_ =	sdelay $0x1  }
0x203: {  	s16 =	spop (v2sf)  }
0x204: {  	[tilespmem:s16+$0x0] =	vst.add.f32.msk $0xffff, v4  }
0x205: {  	v4 =	vld [tilespmem:s24+$0xFFFFFEC0]  }
0x206: {  	(v2sf) =	vpush v1, $0xD;
	[tilespmem:s28+$0x0] =	vst.add.f32.msk $0xffff, v3  }
0x207: {  	v3 =	vld [tilespmem:s24+$0xFFFFFFC0];
	_ =	sdelay $0x1  }
0x208: {  	s20 =	spop (v2sf)  }
0x209: {  	[tilespmem:s20+$0x0] =	vst.add.f32.msk $0xffff, v4  }
0x20a: {  	v4 =	vld [tilespmem:s24+$0xFFFFFED0]  }
0x20b: {  	(v2sf) =	vpush v1, $0xE;
	[tilespmem:s26+$0x0] =	vst.add.f32.msk $0xffff, v3  }
0x20c: {  	v3 =	vld [tilespmem:s24+$0xFFFFFFD0];
	_ =	sdelay $0x1  }
0x20d: {  	s28 =	spop (v2sf)  }
0x20e: {  	[tilespmem:s28+$0x0] =	vst.add.f32.msk $0xffff, v4  }
0x20f: {  	v4 =	vld [tilespmem:s24+$0xFFFFFEE0]  }
0x210: {  	[tilespmem:s25+$0x0] =	vst.add.f32.msk $0xffff, v3  }
0x211: {  	(v2sf) =	vpush v1, $0xF;
	v1 =	vld [tilespmem:s24+$0xFFFFFFE0]  }
0x212: {  	[tilespmem:s23+$0x0] =	vst.add.f32.msk $0xffff, v2  }
0x213: {  	v2 =	vld [tilespmem:s19+$0xFFFFFFF0];
	s29 =	spop (v2sf)  }
0x214: {  	[tilespmem:s29+$0x0] =	vst.add.f32.msk $0xffff, v4  }
0x215: {  	v3 =	vld [tilespmem:s24+$0xFFFFFEF0]  }
0x216: {  	[tilespmem:s5+$0x0] =	vst.add.f32.msk $0xffff, v1  }
0x217: {  	v1 =	vld [tilespmem:s24+$0xFFFFFFF0]  }
0x218: {  	[tilespmem:s22+$0x0] =	vst.add.f32.msk $0xffff, v2  }
0x219: {  	v2 =	vld [tilespmem:s19+$0x0];
	s30 =	spop (v2sf)  }
0x21a: {  	[tilespmem:s30+$0x0] =	vst.add.f32.msk $0xffff, v3  }
0x21b: {  	v3 =	vld [tilespmem:s24+$0xFFFFFF00]  }
0x21c: {  	[tilespmem:s12+$0x0] =	vst.add.f32.msk $0xffff, v1  }
0x21d: {  	v1 =	vld [tilespmem:s24+$0x0]  }
.Ltmp5:
0x21e: {  	_ = 	snop;
	(pc) =	sbr.rel @p0 .LBB2_10-.Ltmp5, $4  }
0x21f: {  	_ = 	snop  }
0x220: {  	[tilespmem:s21+$0x0] =	vst.add.f32.msk $0xffff, v2;
	s31 =	spop (v2sf)  }
0x221: {  	[tilespmem:s31+$0x0] =	vst.add.f32.msk $0xffff, v3  }
0x222: {  	[tilespmem:s1+$0x0] =	vst.add.f32.msk $0xffff, v1  }
.Ltmp6:
0x223: {  	(pc) =	sbr.rel .LBB2_4-.Ltmp6, $4  }
0x224: {  	_ = 	snop  }
0x225: {  	_ =	swait.ge [sflag:s13], $0x4000  }
0x226: {  	[sflag:s13] =	ssyncset.done $0x0  }
0x227: {  	s18 =	sadd.s32 $0x1, s18;
	[sflag:s13] =	ssyncadd.s32 $0xFFFFC000  }
.LBB2_11:
0x228: {  	_ =	sfence.sel $0x180000  }
0x229: {  	[bflag:$0x0] =	sbarrier.arrive $0xFFFF  }
0x22a: {  	_ =	strace $0x90000047  }
0x22b: {  	s0 =	stileid.u32;
	[bflag:$0x2] =	sbarrier.arrive $0xFFFF  }
0x22c: {  	p0 =	sne.s32 s0, $0x0;
	s0 =	rddreg [dreg:$0x2]  }
0x22d: {  	s0 =	sadd.s32 @!p0 $0x100000, s0  }
0x22e: {  	[sflag:s0] =	ssyncadd.tile.s32 @!p0 $0x1;
	_ =	shalt  }
.Lfunc_end2:
_tile_overlayer_lowered:
.L_overlay_start_2:
0x22f: {  	(tag) =	ssettag $0x2  }
0x230: {  	s0 =	rddreg [dreg:$0x0];
	s2 =	stileid.u32  }
0x231: {  	s1 =	rddreg [dreg:$0x1];
	p0 =	sne.s32 s2, $0x0  }
0x232: {  	s3 =	rddreg [dreg:$0x2];
	[bflag:$0x3] =	sbarrier.arrive $0xFFFF;
	s2 =	simm.s32 @!p0 $0x1C03  }
0x233: {  	[timem:s3], [sflag:s2] =	dma.local @!p0 [hbm:s0], s1  }
0x234: {  	s0 =	simm.s32 @!p0 $0x3  }
0x235: {  	_ =	swait.ge @!p0 [sflag:s0], s1  }
0x236: {  	s1 =	ssub.s32 @!p0 $0x0, s1;
	[sflag:s0] =	ssyncset.done @!p0 $0x0  }
0x237: {  	[sflag:s0] =	ssyncadd.s32 @!p0 s1  }
0x238: {  	[bflag:$0x3] =	sbarrier.arrive $0xFFFF  }
0x239: {  	_ =	shalt  }

</sc_bundles>
